<compile_context>
chip_gen: v7x
topology: tpu7x:2x2x1
jax: 0.10.2.dev20260603
libtpu: 0.0.44.dev20260713+nightly
codegen_flags: <defaults>
</compile_context>

<pallas_src>
import functools

import jax
import jax.numpy as jnp
from jax import lax
from jax.experimental import pallas as pl
from jax.experimental.pallas import tpu as pltpu
from jax.experimental.pallas import tpu_sc as plsc

B, T, V = 4, 2048, 8192
N = B * T
NC, NS, L = 2, 16, 16
NW = NC * NS
PER_W = N // NW

_mesh = plsc.VectorSubcoreMesh(core_axis_name="c", subcore_axis_name="s")


@functools.partial(
    pl.kernel,
    mesh=_mesh,
    out_type=jax.ShapeDtypeStruct((NW, L), jnp.float32),
    scratch_types=[
        pltpu.VMEM((PER_W,), jnp.int32),
        pltpu.VMEM((8 * PER_W,), jnp.int32),
        pltpu.VMEM((PER_W, 128), jnp.float32),
        pltpu.VMEM((L,), jnp.float32),
        pltpu.VMEM((PER_W,), jnp.int32),
        pltpu.SemaphoreType.DMA,
    ],
    compiler_params=pltpu.CompilerParams(
        use_tc_tiling_on_sc=True, needs_layout_passes=False
    ),
)
def _gather_neg_sum(tgt_hbm, y_hbm, out_hbm, tgt_v, row_v, val_v, acc_v, col_v, sem):
    wid = lax.axis_index("s") * NC + lax.axis_index("c")
    base = wid * PER_W

    pltpu.sync_copy(tgt_hbm.at[pl.ds(base, PER_W)], tgt_v)
    lanes = lax.iota(jnp.int32, L)
    chunks = []
    for j in range(PER_W // L):
        t = tgt_v[pl.ds(j * L, L)]
        chunks.append(t)
        plsc.store_scatter(row_v, [(j * L + lanes) * 8], base + j * L + lanes)
        col_v[pl.ds(j * L, L)] = t & jnp.int32(-128)

    UNROLL = 8

    def _issue(g, carry):
        i0 = g * UNROLL
        c0vec = plsc.load_gather(col_v, [(lanes & 7) + i0])
        for u in range(UNROLL):
            i = i0 + jnp.int32(u)
            c0 = pl.multiple_of(c0vec[u], 128)
            pltpu.async_copy(
                y_hbm.at[
                    row_v.at[pl.ds(pl.multiple_of(i * 8, 8), 1)],
                    pl.ds(c0, 128),
                ],
                val_v.at[pl.ds(i, 1)],
                sem,
            )
        return carry

    lax.fori_loop(jnp.int32(0), jnp.int32(PER_W // UNROLL), _issue, jnp.int32(0))
    pltpu.make_async_copy(
        y_hbm.at[pl.ds(0, PER_W), pl.ds(0, 128)], val_v, sem
    ).wait()

    acc = jnp.zeros((L,), jnp.float32)
    for j in range(PER_W // L):
        p = jnp.int32(j * L) + lanes
        acc = acc - plsc.load_gather(val_v, [p, chunks[j] & 127])
    acc_v[...] = acc
    pltpu.sync_copy(acc_v, out_hbm.at[wid])


def kernel(model, sample, precomputed, target):
    del model, sample
    tgt = target.reshape(N).astype(jnp.int32)
    y = precomputed.reshape(N, V)
    partials = _gather_neg_sum(tgt, y)
    return jnp.sum(partials)

# --- scband reference (transcript-rebuilt; emitter-appended) ---
"""Pipeline reference for scband-target-energy-34531537060235 (READ-ONLY COPY).

The authoritative reference and input builder live on the scoring server;
editing this copy changes nothing except your own understanding.
"""

import jax
jax.config.update("jax_enable_x64", True)
import jax.numpy as jnp
import numpy as np

B, T, V = 4, 2048, 8192

def setup_inputs(seed: int = 0) -> dict:
    key = jax.random.key(seed)
    k1, k2, k3, k4 = jax.random.split(key, 4)
    return {
        "model": jax.random.normal(k1, (1,), dtype=jnp.float32),
        "sample": jax.random.normal(k2, (1,), dtype=jnp.float32),
        "precomputed": jax.random.normal(k3, (B, T, V), dtype=jnp.float32),
        "target": jax.random.randint(k4, (B, T), 0, V, dtype=jnp.int64),
    }

def reference(model, sample, precomputed, target):
    # TargetEnergy.forward with precomputed logits (model/sample unused),
    # target [B, T], reduction='sum'.
    x = precomputed
    tgt = target[:, :, None]  # unsqueeze(2)
    energy = -jnp.take_along_axis(x, tgt, axis=2)  # gather along dim 2
    return energy.sum()

if __name__ == "__main__":
    import jax
    _d = setup_inputs()
    print(jax.jit(kernel)(*tuple(_d.values())))

</pallas_src>

<mosaic_0001>
#map = affine_map<(d0, d1) -> (0)>
#map1 = affine_map<(d0, d1) -> (0, 0)>
module attributes {stable_mosaic.version = 14 : i64} {
  func.func @_gather_neg_sum(%arg0: i32, %arg1: i32, %arg2: memref<8192xi32, #tpu.memory_space<hbm>>, %arg3: memref<8192x8192xf32, #tpu.memory_space<hbm>>, %arg4: memref<32x16xf32, #tpu.memory_space<hbm>>, %arg5: memref<256xi32, #tpu.memory_space<vmem>>, %arg6: memref<2048xi32, #tpu.memory_space<vmem>>, %arg7: memref<256x128xf32, #tpu.memory_space<vmem>>, %arg8: memref<16xf32, #tpu.memory_space<vmem>>, %arg9: memref<256xi32, #tpu.memory_space<vmem>>, %arg10: memref<!tpu.dma_semaphore, #tpu.memory_space<semaphore_mem>>) attributes {dimension_semantics = [#tpu.dimension_semantics<core_parallel>, #tpu.dimension_semantics<subcore_parallel>], iteration_bounds = array<i64: 2, 16>, scalar_prefetch = 0 : i64, scratch_operands = 6 : i64, tpu.core_type = #tpu.core_type<sc_vector_subcore>, window_params = [{transform_indices = #map}, {transform_indices = #map1}, {transform_indices = #map1}]} {
    %mul3A = arith.constant 2 : i32
    %mul3A_0 = arith.muli %arg1, %mul3A : i32
    %add3A = arith.addi %mul3A_0, %arg0 : i32
    %mul3A_1 = arith.constant 256 : i32
    %mul3A_2 = arith.muli %add3A, %mul3A_1 : i32
    "tpu.region"() ({
      %run_scoped3A = tpu.sem_alloc : memref<!tpu.dma_semaphore, #tpu.memory_space<semaphore_mem>>
      %dma_start3A = tpu.memref_slice %arg2[%mul3A_2] : memref<8192xi32, #tpu.memory_space<hbm>> -> memref<256xi32, #tpu.memory_space<hbm>>
      %dma_start3A_416 = tpu.memref_slice %arg2[%mul3A_2] : memref<8192xi32, #tpu.memory_space<hbm>> -> memref<256xi32, #tpu.memory_space<hbm>>
      tpu.enqueue_dma source(%dma_start3A_416 : memref<256xi32, #tpu.memory_space<hbm>>) target(%arg5 : memref<256xi32, #tpu.memory_space<vmem>>) target_semaphore(%run_scoped3A : memref<!tpu.dma_semaphore, #tpu.memory_space<semaphore_mem>>)
      %dma_wait3A_417 = tpu.memref_slice %arg2[%mul3A_2] : memref<8192xi32, #tpu.memory_space<hbm>> -> memref<256xi32, #tpu.memory_space<hbm>>
      %dma_wait3A_418 = tpu.memref_slice %arg2[%mul3A_2] : memref<8192xi32, #tpu.memory_space<hbm>> -> memref<256xi32, #tpu.memory_space<hbm>>
      tpu.wait_dma2 semaphore(%run_scoped3A : memref<!tpu.dma_semaphore, #tpu.memory_space<semaphore_mem>>) src(%dma_wait3A_418 : memref<256xi32, #tpu.memory_space<hbm>>) dst(%arg5 : memref<256xi32, #tpu.memory_space<vmem>>)
      tpu.yield
    }) : () -> ()
    %iota3A = tpu.iota {dimensions = array<i32: 0>} : vector<16xi32>
    %get3A = arith.constant 0 : index
    %get3A_3 = tpu.vector_load %arg5[%get3A] {strides = array<i32>} : memref<256xi32, #tpu.memory_space<vmem>>, vector<16xi32>,
    %add3A_4 = arith.constant 0 : i32
    %add3A_5 = vector.broadcast %add3A_4 : i32 to vector<16xi32>
    %add3A_6 = arith.addi %add3A_5, %iota3A : vector<16xi32>
    %mul3A_7 = arith.constant 8 : i32
    %mul3A_8 = vector.broadcast %mul3A_7 : i32 to vector<16xi32>
    %mul3A_9 = arith.muli %add3A_6, %mul3A_8 : vector<16xi32>
    %add3A_10 = arith.constant 0 : i32
    %add3A_11 = arith.addi %mul3A_2, %add3A_10 : i32
    %add3A_12 = vector.broadcast %add3A_11 : i32 to vector<16xi32>
    %add3A_13 = arith.addi %add3A_12, %iota3A : vector<16xi32>
    tpu.vector_store_idx %arg6[%mul3A_9], %add3A_13 : memref<2048xi32, #tpu.memory_space<vmem>>[vector<16xi32>], vector<16xi32>,
    %and3A = arith.constant -128 : i32
    %and3A_14 = vector.broadcast %and3A : i32 to vector<16xi32>
    %and3A_15 = arith.andi %get3A_3, %and3A_14 : vector<16xi32>
    %swap3A = arith.constant 0 : index
    %swap3A_16 = tpu.vector_load %arg9[%swap3A] {strides = array<i32>} : memref<256xi32, #tpu.memory_space<vmem>>, vector<16xi32>,
    tpu.vector_store %arg9[%swap3A], %and3A_15 {strides = array<i32>} : memref<256xi32, #tpu.memory_space<vmem>>, vector<16xi32>,
    %get3A_17 = arith.constant 16 : index
    %get3A_18 = tpu.vector_load %arg5[%get3A_17] {strides = array<i32>} : memref<256xi32, #tpu.memory_space<vmem>>, vector<16xi32>,
    %add3A_19 = arith.constant 16 : i32
    %add3A_20 = vector.broadcast %add3A_19 : i32 to vector<16xi32>
    %add3A_21 = arith.addi %add3A_20, %iota3A : vector<16xi32>
    %mul3A_22 = arith.constant 8 : i32
    %mul3A_23 = vector.broadcast %mul3A_22 : i32 to vector<16xi32>
    %mul3A_24 = arith.muli %add3A_21, %mul3A_23 : vector<16xi32>
    %add3A_25 = arith.constant 16 : i32
    %add3A_26 = arith.addi %mul3A_2, %add3A_25 : i32
    %add3A_27 = vector.broadcast %add3A_26 : i32 to vector<16xi32>
    %add3A_28 = arith.addi %add3A_27, %iota3A : vector<16xi32>
    tpu.vector_store_idx %arg6[%mul3A_24], %add3A_28 : memref<2048xi32, #tpu.memory_space<vmem>>[vector<16xi32>], vector<16xi32>,
    %and3A_29 = arith.constant -128 : i32
    %and3A_30 = vector.broadcast %and3A_29 : i32 to vector<16xi32>
    %and3A_31 = arith.andi %get3A_18, %and3A_30 : vector<16xi32>
    %swap3A_32 = arith.constant 16 : index
    %swap3A_33 = tpu.vector_load %arg9[%swap3A_32] {strides = array<i32>} : memref<256xi32, #tpu.memory_space<vmem>>, vector<16xi32>,
    tpu.vector_store %arg9[%swap3A_32], %and3A_31 {strides = array<i32>} : memref<256xi32, #tpu.memory_space<vmem>>, vector<16xi32>,
    %get3A_34 = arith.constant 32 : index
    %get3A_35 = tpu.vector_load %arg5[%get3A_34] {strides = array<i32>} : memref<256xi32, #tpu.memory_space<vmem>>, vector<16xi32>,
    %add3A_36 = arith.constant 32 : i32
    %add3A_37 = vector.broadcast %add3A_36 : i32 to vector<16xi32>
    %add3A_38 = arith.addi %add3A_37, %iota3A : vector<16xi32>
    %mul3A_39 = arith.constant 8 : i32
    %mul3A_40 = vector.broadcast %mul3A_39 : i32 to vector<16xi32>
    %mul3A_41 = arith.muli %add3A_38, %mul3A_40 : vector<16xi32>
    %add3A_42 = arith.constant 32 : i32
    %add3A_43 = arith.addi %mul3A_2, %add3A_42 : i32
    %add3A_44 = vector.broadcast %add3A_43 : i32 to vector<16xi32>
    %add3A_45 = arith.addi %add3A_44, %iota3A : vector<16xi32>
    tpu.vector_store_idx %arg6[%mul3A_41], %add3A_45 : memref<2048xi32, #tpu.memory_space<vmem>>[vector<16xi32>], vector<16xi32>,
    %and3A_46 = arith.constant -128 : i32
    %and3A_47 = vector.broadcast %and3A_46 : i32 to vector<16xi32>
    %and3A_48 = arith.andi %get3A_35, %and3A_47 : vector<16xi32>
    %swap3A_49 = arith.constant 32 : index
    %swap3A_50 = tpu.vector_load %arg9[%swap3A_49] {strides = array<i32>} : memref<256xi32, #tpu.memory_space<vmem>>, vector<16xi32>,
    tpu.vector_store %arg9[%swap3A_49], %and3A_48 {strides = array<i32>} : memref<256xi32, #tpu.memory_space<vmem>>, vector<16xi32>,
    %get3A_51 = arith.constant 48 : index
    %get3A_52 = tpu.vector_load %arg5[%get3A_51] {strides = array<i32>} : memref<256xi32, #tpu.memory_space<vmem>>, vector<16xi32>,
    %add3A_53 = arith.constant 48 : i32
    %add3A_54 = vector.broadcast %add3A_53 : i32 to vector<16xi32>
    %add3A_55 = arith.addi %add3A_54, %iota3A : vector<16xi32>
    %mul3A_56 = arith.constant 8 : i32
    %mul3A_57 = vector.broadcast %mul3A_56 : i32 to vector<16xi32>
    %mul3A_58 = arith.muli %add3A_55, %mul3A_57 : vector<16xi32>
    %add3A_59 = arith.constant 48 : i32
    %add3A_60 = arith.addi %mul3A_2, %add3A_59 : i32
    %add3A_61 = vector.broadcast %add3A_60 : i32 to vector<16xi32>
    %add3A_62 = arith.addi %add3A_61, %iota3A : vector<16xi32>
    tpu.vector_store_idx %arg6[%mul3A_58], %add3A_62 : memref<2048xi32, #tpu.memory_space<vmem>>[vector<16xi32>], vector<16xi32>,
    %and3A_63 = arith.constant -128 : i32
    %and3A_64 = vector.broadcast %and3A_63 : i32 to vector<16xi32>
    %and3A_65 = arith.andi %get3A_52, %and3A_64 : vector<16xi32>
    %swap3A_66 = arith.constant 48 : index
    %swap3A_67 = tpu.vector_load %arg9[%swap3A_66] {strides = array<i32>} : memref<256xi32, #tpu.memory_space<vmem>>, vector<16xi32>,
    tpu.vector_store %arg9[%swap3A_66], %and3A_65 {strides = array<i32>} : memref<256xi32, #tpu.memory_space<vmem>>, vector<16xi32>,
    %get3A_68 = arith.constant 64 : index
    %get3A_69 = tpu.vector_load %arg5[%get3A_68] {strides = array<i32>} : memref<256xi32, #tpu.memory_space<vmem>>, vector<16xi32>,
    %add3A_70 = arith.constant 64 : i32
    %add3A_71 = vector.broadcast %add3A_70 : i32 to vector<16xi32>
    %add3A_72 = arith.addi %add3A_71, %iota3A : vector<16xi32>
    %mul3A_73 = arith.constant 8 : i32
    %mul3A_74 = vector.broadcast %mul3A_73 : i32 to vector<16xi32>
    %mul3A_75 = arith.muli %add3A_72, %mul3A_74 : vector<16xi32>
    %add3A_76 = arith.constant 64 : i32
    %add3A_77 = arith.addi %mul3A_2, %add3A_76 : i32
    %add3A_78 = vector.broadcast %add3A_77 : i32 to vector<16xi32>
    %add3A_79 = arith.addi %add3A_78, %iota3A : vector<16xi32>
    tpu.vector_store_idx %arg6[%mul3A_75], %add3A_79 : memref<2048xi32, #tpu.memory_space<vmem>>[vector<16xi32>], vector<16xi32>,
    %and3A_80 = arith.constant -128 : i32
    %and3A_81 = vector.broadcast %and3A_80 : i32 to vector<16xi32>
    %and3A_82 = arith.andi %get3A_69, %and3A_81 : vector<16xi32>
    %swap3A_83 = arith.constant 64 : index
    %swap3A_84 = tpu.vector_load %arg9[%swap3A_83] {strides = array<i32>} : memref<256xi32, #tpu.memory_space<vmem>>, vector<16xi32>,
    tpu.vector_store %arg9[%swap3A_83], %and3A_82 {strides = array<i32>} : memref<256xi32, #tpu.memory_space<vmem>>, vector<16xi32>,
    %get3A_85 = arith.constant 80 : index
    %get3A_86 = tpu.vector_load %arg5[%get3A_85] {strides = array<i32>} : memref<256xi32, #tpu.memory_space<vmem>>, vector<16xi32>,
    %add3A_87 = arith.constant 80 : i32
    %add3A_88 = vector.broadcast %add3A_87 : i32 to vector<16xi32>
    %add3A_89 = arith.addi %add3A_88, %iota3A : vector<16xi32>
    %mul3A_90 = arith.constant 8 : i32
    %mul3A_91 = vector.broadcast %mul3A_90 : i32 to vector<16xi32>
    %mul3A_92 = arith.muli %add3A_89, %mul3A_91 : vector<16xi32>
    %add3A_93 = arith.constant 80 : i32
    %add3A_94 = arith.addi %mul3A_2, %add3A_93 : i32
    %add3A_95 = vector.broadcast %add3A_94 : i32 to vector<16xi32>
    %add3A_96 = arith.addi %add3A_95, %iota3A : vector<16xi32>
    tpu.vector_store_idx %arg6[%mul3A_92], %add3A_96 : memref<2048xi32, #tpu.memory_space<vmem>>[vector<16xi32>], vector<16xi32>,
    %and3A_97 = arith.constant -128 : i32
    %and3A_98 = vector.broadcast %and3A_97 : i32 to vector<16xi32>
    %and3A_99 = arith.andi %get3A_86, %and3A_98 : vector<16xi32>
    %swap3A_100 = arith.constant 80 : index
    %swap3A_101 = tpu.vector_load %arg9[%swap3A_100] {strides = array<i32>} : memref<256xi32, #tpu.memory_space<vmem>>, vector<16xi32>,
    tpu.vector_store %arg9[%swap3A_100], %and3A_99 {strides = array<i32>} : memref<256xi32, #tpu.memory_space<vmem>>, vector<16xi32>,
    %get3A_102 = arith.constant 96 : index
    %get3A_103 = tpu.vector_load %arg5[%get3A_102] {strides = array<i32>} : memref<256xi32, #tpu.memory_space<vmem>>, vector<16xi32>,
    %add3A_104 = arith.constant 96 : i32
    %add3A_105 = vector.broadcast %add3A_104 : i32 to vector<16xi32>
    %add3A_106 = arith.addi %add3A_105, %iota3A : vector<16xi32>
    %mul3A_107 = arith.constant 8 : i32
    %mul3A_108 = vector.broadcast %mul3A_107 : i32 to vector<16xi32>
    %mul3A_109 = arith.muli %add3A_106, %mul3A_108 : vector<16xi32>
    %add3A_110 = arith.constant 96 : i32
    %add3A_111 = arith.addi %mul3A_2, %add3A_110 : i32
    %add3A_112 = vector.broadcast %add3A_111 : i32 to vector<16xi32>
    %add3A_113 = arith.addi %add3A_112, %iota3A : vector<16xi32>
    tpu.vector_store_idx %arg6[%mul3A_109], %add3A_113 : memref<2048xi32, #tpu.memory_space<vmem>>[vector<16xi32>], vector<16xi32>,
    %and3A_114 = arith.constant -128 : i32
    %and3A_115 = vector.broadcast %and3A_114 : i32 to vector<16xi32>
    %and3A_116 = arith.andi %get3A_103, %and3A_115 : vector<16xi32>
    %swap3A_117 = arith.constant 96 : index
    %swap3A_118 = tpu.vector_load %arg9[%swap3A_117] {strides = array<i32>} : memref<256xi32, #tpu.memory_space<vmem>>, vector<16xi32>,
    tpu.vector_store %arg9[%swap3A_117], %and3A_116 {strides = array<i32>} : memref<256xi32, #tpu.memory_space<vmem>>, vector<16xi32>,
    %get3A_119 = arith.constant 112 : index
    %get3A_120 = tpu.vector_load %arg5[%get3A_119] {strides = array<i32>} : memref<256xi32, #tpu.memory_space<vmem>>, vector<16xi32>,
    %add3A_121 = arith.constant 112 : i32
    %add3A_122 = vector.broadcast %add3A_121 : i32 to vector<16xi32>
    %add3A_123 = arith.addi %add3A_122, %iota3A : vector<16xi32>
    %mul3A_124 = arith.constant 8 : i32
    %mul3A_125 = vector.broadcast %mul3A_124 : i32 to vector<16xi32>
    %mul3A_126 = arith.muli %add3A_123, %mul3A_125 : vector<16xi32>
    %add3A_127 = arith.constant 112 : i32
    %add3A_128 = arith.addi %mul3A_2, %add3A_127 : i32
    %add3A_129 = vector.broadcast %add3A_128 : i32 to vector<16xi32>
    %add3A_130 = arith.addi %add3A_129, %iota3A : vector<16xi32>
    tpu.vector_store_idx %arg6[%mul3A_126], %add3A_130 : memref<2048xi32, #tpu.memory_space<vmem>>[vector<16xi32>], vector<16xi32>,
    %and3A_131 = arith.constant -128 : i32
    %and3A_132 = vector.broadcast %and3A_131 : i32 to vector<16xi32>
    %and3A_133 = arith.andi %get3A_120, %and3A_132 : vector<16xi32>
    %swap3A_134 = arith.constant 112 : index
    %swap3A_135 = tpu.vector_load %arg9[%swap3A_134] {strides = array<i32>} : memref<256xi32, #tpu.memory_space<vmem>>, vector<16xi32>,
    tpu.vector_store %arg9[%swap3A_134], %and3A_133 {strides = array<i32>} : memref<256xi32, #tpu.memory_space<vmem>>, vector<16xi32>,
    %get3A_136 = arith.constant 128 : index
    %get3A_137 = tpu.vector_load %arg5[%get3A_136] {strides = array<i32>} : memref<256xi32, #tpu.memory_space<vmem>>, vector<16xi32>,
    %add3A_138 = arith.constant 128 : i32
    %add3A_139 = vector.broadcast %add3A_138 : i32 to vector<16xi32>
    %add3A_140 = arith.addi %add3A_139, %iota3A : vector<16xi32>
    %mul3A_141 = arith.constant 8 : i32
    %mul3A_142 = vector.broadcast %mul3A_141 : i32 to vector<16xi32>
    %mul3A_143 = arith.muli %add3A_140, %mul3A_142 : vector<16xi32>
    %add3A_144 = arith.constant 128 : i32
    %add3A_145 = arith.addi %mul3A_2, %add3A_144 : i32
    %add3A_146 = vector.broadcast %add3A_145 : i32 to vector<16xi32>
    %add3A_147 = arith.addi %add3A_146, %iota3A : vector<16xi32>
    tpu.vector_store_idx %arg6[%mul3A_143], %add3A_147 : memref<2048xi32, #tpu.memory_space<vmem>>[vector<16xi32>], vector<16xi32>,
    %and3A_148 = arith.constant -128 : i32
    %and3A_149 = vector.broadcast %and3A_148 : i32 to vector<16xi32>
    %and3A_150 = arith.andi %get3A_137, %and3A_149 : vector<16xi32>
    %swap3A_151 = arith.constant 128 : index
    %swap3A_152 = tpu.vector_load %arg9[%swap3A_151] {strides = array<i32>} : memref<256xi32, #tpu.memory_space<vmem>>, vector<16xi32>,
    tpu.vector_store %arg9[%swap3A_151], %and3A_150 {strides = array<i32>} : memref<256xi32, #tpu.memory_space<vmem>>, vector<16xi32>,
    %get3A_153 = arith.constant 144 : index
    %get3A_154 = tpu.vector_load %arg5[%get3A_153] {strides = array<i32>} : memref<256xi32, #tpu.memory_space<vmem>>, vector<16xi32>,
    %add3A_155 = arith.constant 144 : i32
    %add3A_156 = vector.broadcast %add3A_155 : i32 to vector<16xi32>
    %add3A_157 = arith.addi %add3A_156, %iota3A : vector<16xi32>
    %mul3A_158 = arith.constant 8 : i32
    %mul3A_159 = vector.broadcast %mul3A_158 : i32 to vector<16xi32>
    %mul3A_160 = arith.muli %add3A_157, %mul3A_159 : vector<16xi32>
    %add3A_161 = arith.constant 144 : i32
    %add3A_162 = arith.addi %mul3A_2, %add3A_161 : i32
    %add3A_163 = vector.broadcast %add3A_162 : i32 to vector<16xi32>
    %add3A_164 = arith.addi %add3A_163, %iota3A : vector<16xi32>
    tpu.vector_store_idx %arg6[%mul3A_160], %add3A_164 : memref<2048xi32, #tpu.memory_space<vmem>>[vector<16xi32>], vector<16xi32>,
    %and3A_165 = arith.constant -128 : i32
    %and3A_166 = vector.broadcast %and3A_165 : i32 to vector<16xi32>
    %and3A_167 = arith.andi %get3A_154, %and3A_166 : vector<16xi32>
    %swap3A_168 = arith.constant 144 : index
    %swap3A_169 = tpu.vector_load %arg9[%swap3A_168] {strides = array<i32>} : memref<256xi32, #tpu.memory_space<vmem>>, vector<16xi32>,
    tpu.vector_store %arg9[%swap3A_168], %and3A_167 {strides = array<i32>} : memref<256xi32, #tpu.memory_space<vmem>>, vector<16xi32>,
    %get3A_170 = arith.constant 160 : index
    %get3A_171 = tpu.vector_load %arg5[%get3A_170] {strides = array<i32>} : memref<256xi32, #tpu.memory_space<vmem>>, vector<16xi32>,
    %add3A_172 = arith.constant 160 : i32
    %add3A_173 = vector.broadcast %add3A_172 : i32 to vector<16xi32>
    %add3A_174 = arith.addi %add3A_173, %iota3A : vector<16xi32>
    %mul3A_175 = arith.constant 8 : i32
    %mul3A_176 = vector.broadcast %mul3A_175 : i32 to vector<16xi32>
    %mul3A_177 = arith.muli %add3A_174, %mul3A_176 : vector<16xi32>
    %add3A_178 = arith.constant 160 : i32
    %add3A_179 = arith.addi %mul3A_2, %add3A_178 : i32
    %add3A_180 = vector.broadcast %add3A_179 : i32 to vector<16xi32>
    %add3A_181 = arith.addi %add3A_180, %iota3A : vector<16xi32>
    tpu.vector_store_idx %arg6[%mul3A_177], %add3A_181 : memref<2048xi32, #tpu.memory_space<vmem>>[vector<16xi32>], vector<16xi32>,
    %and3A_182 = arith.constant -128 : i32
    %and3A_183 = vector.broadcast %and3A_182 : i32 to vector<16xi32>
    %and3A_184 = arith.andi %get3A_171, %and3A_183 : vector<16xi32>
    %swap3A_185 = arith.constant 160 : index
    %swap3A_186 = tpu.vector_load %arg9[%swap3A_185] {strides = array<i32>} : memref<256xi32, #tpu.memory_space<vmem>>, vector<16xi32>,
    tpu.vector_store %arg9[%swap3A_185], %and3A_184 {strides = array<i32>} : memref<256xi32, #tpu.memory_space<vmem>>, vector<16xi32>,
    %get3A_187 = arith.constant 176 : index
    %get3A_188 = tpu.vector_load %arg5[%get3A_187] {strides = array<i32>} : memref<256xi32, #tpu.memory_space<vmem>>, vector<16xi32>,
    %add3A_189 = arith.constant 176 : i32
    %add3A_190 = vector.broadcast %add3A_189 : i32 to vector<16xi32>
    %add3A_191 = arith.addi %add3A_190, %iota3A : vector<16xi32>
    %mul3A_192 = arith.constant 8 : i32
    %mul3A_193 = vector.broadcast %mul3A_192 : i32 to vector<16xi32>
    %mul3A_194 = arith.muli %add3A_191, %mul3A_193 : vector<16xi32>
    %add3A_195 = arith.constant 176 : i32
    %add3A_196 = arith.addi %mul3A_2, %add3A_195 : i32
    %add3A_197 = vector.broadcast %add3A_196 : i32 to vector<16xi32>
    %add3A_198 = arith.addi %add3A_197, %iota3A : vector<16xi32>
    tpu.vector_store_idx %arg6[%mul3A_194], %add3A_198 : memref<2048xi32, #tpu.memory_space<vmem>>[vector<16xi32>], vector<16xi32>,
    %and3A_199 = arith.constant -128 : i32
    %and3A_200 = vector.broadcast %and3A_199 : i32 to vector<16xi32>
    %and3A_201 = arith.andi %get3A_188, %and3A_200 : vector<16xi32>
    %swap3A_202 = arith.constant 176 : index
    %swap3A_203 = tpu.vector_load %arg9[%swap3A_202] {strides = array<i32>} : memref<256xi32, #tpu.memory_space<vmem>>, vector<16xi32>,
    tpu.vector_store %arg9[%swap3A_202], %and3A_201 {strides = array<i32>} : memref<256xi32, #tpu.memory_space<vmem>>, vector<16xi32>,
    %get3A_204 = arith.constant 192 : index
    %get3A_205 = tpu.vector_load %arg5[%get3A_204] {strides = array<i32>} : memref<256xi32, #tpu.memory_space<vmem>>, vector<16xi32>,
    %add3A_206 = arith.constant 192 : i32
    %add3A_207 = vector.broadcast %add3A_206 : i32 to vector<16xi32>
    %add3A_208 = arith.addi %add3A_207, %iota3A : vector<16xi32>
    %mul3A_209 = arith.constant 8 : i32
    %mul3A_210 = vector.broadcast %mul3A_209 : i32 to vector<16xi32>
    %mul3A_211 = arith.muli %add3A_208, %mul3A_210 : vector<16xi32>
    %add3A_212 = arith.constant 192 : i32
    %add3A_213 = arith.addi %mul3A_2, %add3A_212 : i32
    %add3A_214 = vector.broadcast %add3A_213 : i32 to vector<16xi32>
    %add3A_215 = arith.addi %add3A_214, %iota3A : vector<16xi32>
    tpu.vector_store_idx %arg6[%mul3A_211], %add3A_215 : memref<2048xi32, #tpu.memory_space<vmem>>[vector<16xi32>], vector<16xi32>,
    %and3A_216 = arith.constant -128 : i32
    %and3A_217 = vector.broadcast %and3A_216 : i32 to vector<16xi32>
    %and3A_218 = arith.andi %get3A_205, %and3A_217 : vector<16xi32>
    %swap3A_219 = arith.constant 192 : index
    %swap3A_220 = tpu.vector_load %arg9[%swap3A_219] {strides = array<i32>} : memref<256xi32, #tpu.memory_space<vmem>>, vector<16xi32>,
    tpu.vector_store %arg9[%swap3A_219], %and3A_218 {strides = array<i32>} : memref<256xi32, #tpu.memory_space<vmem>>, vector<16xi32>,
    %get3A_221 = arith.constant 208 : index
    %get3A_222 = tpu.vector_load %arg5[%get3A_221] {strides = array<i32>} : memref<256xi32, #tpu.memory_space<vmem>>, vector<16xi32>,
    %add3A_223 = arith.constant 208 : i32
    %add3A_224 = vector.broadcast %add3A_223 : i32 to vector<16xi32>
    %add3A_225 = arith.addi %add3A_224, %iota3A : vector<16xi32>
    %mul3A_226 = arith.constant 8 : i32
    %mul3A_227 = vector.broadcast %mul3A_226 : i32 to vector<16xi32>
    %mul3A_228 = arith.muli %add3A_225, %mul3A_227 : vector<16xi32>
    %add3A_229 = arith.constant 208 : i32
    %add3A_230 = arith.addi %mul3A_2, %add3A_229 : i32
    %add3A_231 = vector.broadcast %add3A_230 : i32 to vector<16xi32>
    %add3A_232 = arith.addi %add3A_231, %iota3A : vector<16xi32>
    tpu.vector_store_idx %arg6[%mul3A_228], %add3A_232 : memref<2048xi32, #tpu.memory_space<vmem>>[vector<16xi32>], vector<16xi32>,
    %and3A_233 = arith.constant -128 : i32
    %and3A_234 = vector.broadcast %and3A_233 : i32 to vector<16xi32>
    %and3A_235 = arith.andi %get3A_222, %and3A_234 : vector<16xi32>
    %swap3A_236 = arith.constant 208 : index
    %swap3A_237 = tpu.vector_load %arg9[%swap3A_236] {strides = array<i32>} : memref<256xi32, #tpu.memory_space<vmem>>, vector<16xi32>,
    tpu.vector_store %arg9[%swap3A_236], %and3A_235 {strides = array<i32>} : memref<256xi32, #tpu.memory_space<vmem>>, vector<16xi32>,
    %get3A_238 = arith.constant 224 : index
    %get3A_239 = tpu.vector_load %arg5[%get3A_238] {strides = array<i32>} : memref<256xi32, #tpu.memory_space<vmem>>, vector<16xi32>,
    %add3A_240 = arith.constant 224 : i32
    %add3A_241 = vector.broadcast %add3A_240 : i32 to vector<16xi32>
    %add3A_242 = arith.addi %add3A_241, %iota3A : vector<16xi32>
    %mul3A_243 = arith.constant 8 : i32
    %mul3A_244 = vector.broadcast %mul3A_243 : i32 to vector<16xi32>
    %mul3A_245 = arith.muli %add3A_242, %mul3A_244 : vector<16xi32>
    %add3A_246 = arith.constant 224 : i32
    %add3A_247 = arith.addi %mul3A_2, %add3A_246 : i32
    %add3A_248 = vector.broadcast %add3A_247 : i32 to vector<16xi32>
    %add3A_249 = arith.addi %add3A_248, %iota3A : vector<16xi32>
    tpu.vector_store_idx %arg6[%mul3A_245], %add3A_249 : memref<2048xi32, #tpu.memory_space<vmem>>[vector<16xi32>], vector<16xi32>,
    %and3A_250 = arith.constant -128 : i32
    %and3A_251 = vector.broadcast %and3A_250 : i32 to vector<16xi32>
    %and3A_252 = arith.andi %get3A_239, %and3A_251 : vector<16xi32>
    %swap3A_253 = arith.constant 224 : index
    %swap3A_254 = tpu.vector_load %arg9[%swap3A_253] {strides = array<i32>} : memref<256xi32, #tpu.memory_space<vmem>>, vector<16xi32>,
    tpu.vector_store %arg9[%swap3A_253], %and3A_252 {strides = array<i32>} : memref<256xi32, #tpu.memory_space<vmem>>, vector<16xi32>,
    %get3A_255 = arith.constant 240 : index
    %get3A_256 = tpu.vector_load %arg5[%get3A_255] {strides = array<i32>} : memref<256xi32, #tpu.memory_space<vmem>>, vector<16xi32>,
    %add3A_257 = arith.constant 240 : i32
    %add3A_258 = vector.broadcast %add3A_257 : i32 to vector<16xi32>
    %add3A_259 = arith.addi %add3A_258, %iota3A : vector<16xi32>
    %mul3A_260 = arith.constant 8 : i32
    %mul3A_261 = vector.broadcast %mul3A_260 : i32 to vector<16xi32>
    %mul3A_262 = arith.muli %add3A_259, %mul3A_261 : vector<16xi32>
    %add3A_263 = arith.constant 240 : i32
    %add3A_264 = arith.addi %mul3A_2, %add3A_263 : i32
    %add3A_265 = vector.broadcast %add3A_264 : i32 to vector<16xi32>
    %add3A_266 = arith.addi %add3A_265, %iota3A : vector<16xi32>
    tpu.vector_store_idx %arg6[%mul3A_262], %add3A_266 : memref<2048xi32, #tpu.memory_space<vmem>>[vector<16xi32>], vector<16xi32>,
    %and3A_267 = arith.constant -128 : i32
    %and3A_268 = vector.broadcast %and3A_267 : i32 to vector<16xi32>
    %and3A_269 = arith.andi %get3A_256, %and3A_268 : vector<16xi32>
    %swap3A_270 = arith.constant 240 : index
    %swap3A_271 = tpu.vector_load %arg9[%swap3A_270] {strides = array<i32>} : memref<256xi32, #tpu.memory_space<vmem>>, vector<16xi32>,
    tpu.vector_store %arg9[%swap3A_270], %and3A_269 {strides = array<i32>} : memref<256xi32, #tpu.memory_space<vmem>>, vector<16xi32>,
    %while3A = arith.constant 0 : i32
    %while3A_272 = arith.constant 0 : i32
    %while3A_273 = arith.constant 32 : i32
    %while3A_274 = arith.subi %while3A_273, %while3A_272 : i32
    %while3A_275 = arith.addi %while3A_272, %while3A_274 : i32
    %while3A_276 = arith.constant 1 : i32
    %while3A_277 = arith.divsi %while3A_274, %while3A_276 : i32
    %while3A_278 = arith.muli %while3A_277, %while3A_276 : i32
    %while3A_279 = arith.addi %while3A_272, %while3A_278 : i32
    %while3A_280 = arith.constant 1 : i32
    scf.for %while3A_416 = %while3A_272 to %while3A_279 step %while3A_280  : i32 {
      %mul3A_417 = arith.constant 8 : i32
      %mul3A_418 = arith.muli %while3A_416, %mul3A_417 : i32
      %and3A_419 = arith.constant 7 : i32
      %and3A_420 = vector.broadcast %and3A_419 : i32 to vector<16xi32>
      %and3A_421 = arith.andi %iota3A, %and3A_420 : vector<16xi32>
      %add3A_422 = vector.broadcast %mul3A_418 : i32 to vector<16xi32>
      %add3A_423 = arith.addi %and3A_421, %add3A_422 : vector<16xi32>
      %gather3A_424 = tpu.vector_load_idx %arg9[%add3A_423] : memref<256xi32, #tpu.memory_space<vmem>>[vector<16xi32>], vector<16xi32>,
      %add3A_425 = arith.constant 0 : i32
      %add3A_426 = arith.addi %mul3A_418, %add3A_425 : i32
      %slice3A = vector.extract_strided_slice %gather3A_424 {offsets = [0], sizes = [1], strides = [1]} : vector<16xi32> to vector<1xi32>
      %squeeze3A = vector.extract %slice3A[0] : i32 from vector<1xi32>
      %multiple_of3A = tpu.assume_multiple %squeeze3A, 128 : i32
      %mul3A_427 = arith.constant 8 : i32
      %mul3A_428 = arith.muli %add3A_426, %mul3A_427 : i32
      %multiple_of3A_429 = tpu.assume_multiple %mul3A_428, 8 : i32
      %dma_start3A = arith.constant 0 : i32
      %dma_start3A_430 = tpu.memref_slice %arg7[%add3A_426, %dma_start3A] : memref<256x128xf32, #tpu.memory_space<vmem>> -> memref<1x128xf32, #tpu.memory_space<vmem>>
      %dma_start3A_431 = tpu.memref_slice %arg6[%multiple_of3A_429] : memref<2048xi32, #tpu.memory_space<vmem>> -> memref<1xi32, #tpu.memory_space<vmem>>
      %dma_start3A_432 = arith.constant 0 : i32
      %dma_start3A_433 = tpu.memref_slice %arg3[%dma_start3A_432, %multiple_of3A] : memref<8192x8192xf32, #tpu.memory_space<hbm>> -> memref<8192x128xf32, #tpu.memory_space<hbm>>
      tpu.enqueue_indirect_dma source(%dma_start3A_433 : memref<8192x128xf32, #tpu.memory_space<hbm>>) target(%dma_start3A_430 : memref<1x128xf32, #tpu.memory_space<vmem>>) offsets(%dma_start3A_431 : memref<1xi32, #tpu.memory_space<vmem>>) semaphore(%arg10 : memref<!tpu.dma_semaphore, #tpu.memory_space<semaphore_mem>>)
      %add3A_434 = arith.constant 1 : i32
      %add3A_435 = arith.addi %mul3A_418, %add3A_434 : i32
      %slice3A_436 = vector.extract_strided_slice %gather3A_424 {offsets = [1], sizes = [1], strides = [1]} : vector<16xi32> to vector<1xi32>
      %squeeze3A_437 = vector.extract %slice3A_436[0] : i32 from vector<1xi32>
      %multiple_of3A_438 = tpu.assume_multiple %squeeze3A_437, 128 : i32
      %mul3A_439 = arith.constant 8 : i32
      %mul3A_440 = arith.muli %add3A_435, %mul3A_439 : i32
      %multiple_of3A_441 = tpu.assume_multiple %mul3A_440, 8 : i32
      %dma_start3A_442 = arith.constant 0 : i32
      %dma_start3A_443 = tpu.memref_slice %arg7[%add3A_435, %dma_start3A_442] : memref<256x128xf32, #tpu.memory_space<vmem>> -> memref<1x128xf32, #tpu.memory_space<vmem>>
      %dma_start3A_444 = tpu.memref_slice %arg6[%multiple_of3A_441] : memref<2048xi32, #tpu.memory_space<vmem>> -> memref<1xi32, #tpu.memory_space<vmem>>
      %dma_start3A_445 = arith.constant 0 : i32
      %dma_start3A_446 = tpu.memref_slice %arg3[%dma_start3A_445, %multiple_of3A_438] : memref<8192x8192xf32, #tpu.memory_space<hbm>> -> memref<8192x128xf32, #tpu.memory_space<hbm>>
      tpu.enqueue_indirect_dma source(%dma_start3A_446 : memref<8192x128xf32, #tpu.memory_space<hbm>>) target(%dma_start3A_443 : memref<1x128xf32, #tpu.memory_space<vmem>>) offsets(%dma_start3A_444 : memref<1xi32, #tpu.memory_space<vmem>>) semaphore(%arg10 : memref<!tpu.dma_semaphore, #tpu.memory_space<semaphore_mem>>)
      %add3A_447 = arith.constant 2 : i32
      %add3A_448 = arith.addi %mul3A_418, %add3A_447 : i32
      %slice3A_449 = vector.extract_strided_slice %gather3A_424 {offsets = [2], sizes = [1], strides = [1]} : vector<16xi32> to vector<1xi32>
      %squeeze3A_450 = vector.extract %slice3A_449[0] : i32 from vector<1xi32>
      %multiple_of3A_451 = tpu.assume_multiple %squeeze3A_450, 128 : i32
      %mul3A_452 = arith.constant 8 : i32
      %mul3A_453 = arith.muli %add3A_448, %mul3A_452 : i32
      %multiple_of3A_454 = tpu.assume_multiple %mul3A_453, 8 : i32
      %dma_start3A_455 = arith.constant 0 : i32
      %dma_start3A_456 = tpu.memref_slice %arg7[%add3A_448, %dma_start3A_455] : memref<256x128xf32, #tpu.memory_space<vmem>> -> memref<1x128xf32, #tpu.memory_space<vmem>>
      %dma_start3A_457 = tpu.memref_slice %arg6[%multiple_of3A_454] : memref<2048xi32, #tpu.memory_space<vmem>> -> memref<1xi32, #tpu.memory_space<vmem>>
      %dma_start3A_458 = arith.constant 0 : i32
      %dma_start3A_459 = tpu.memref_slice %arg3[%dma_start3A_458, %multiple_of3A_451] : memref<8192x8192xf32, #tpu.memory_space<hbm>> -> memref<8192x128xf32, #tpu.memory_space<hbm>>
      tpu.enqueue_indirect_dma source(%dma_start3A_459 : memref<8192x128xf32, #tpu.memory_space<hbm>>) target(%dma_start3A_456 : memref<1x128xf32, #tpu.memory_space<vmem>>) offsets(%dma_start3A_457 : memref<1xi32, #tpu.memory_space<vmem>>) semaphore(%arg10 : memref<!tpu.dma_semaphore, #tpu.memory_space<semaphore_mem>>)
      %add3A_460 = arith.constant 3 : i32
      %add3A_461 = arith.addi %mul3A_418, %add3A_460 : i32
      %slice3A_462 = vector.extract_strided_slice %gather3A_424 {offsets = [3], sizes = [1], strides = [1]} : vector<16xi32> to vector<1xi32>
      %squeeze3A_463 = vector.extract %slice3A_462[0] : i32 from vector<1xi32>
      %multiple_of3A_464 = tpu.assume_multiple %squeeze3A_463, 128 : i32
      %mul3A_465 = arith.constant 8 : i32
      %mul3A_466 = arith.muli %add3A_461, %mul3A_465 : i32
      %multiple_of3A_467 = tpu.assume_multiple %mul3A_466, 8 : i32
      %dma_start3A_468 = arith.constant 0 : i32
      %dma_start3A_469 = tpu.memref_slice %arg7[%add3A_461, %dma_start3A_468] : memref<256x128xf32, #tpu.memory_space<vmem>> -> memref<1x128xf32, #tpu.memory_space<vmem>>
      %dma_start3A_470 = tpu.memref_slice %arg6[%multiple_of3A_467] : memref<2048xi32, #tpu.memory_space<vmem>> -> memref<1xi32, #tpu.memory_space<vmem>>
      %dma_start3A_471 = arith.constant 0 : i32
      %dma_start3A_472 = tpu.memref_slice %arg3[%dma_start3A_471, %multiple_of3A_464] : memref<8192x8192xf32, #tpu.memory_space<hbm>> -> memref<8192x128xf32, #tpu.memory_space<hbm>>
      tpu.enqueue_indirect_dma source(%dma_start3A_472 : memref<8192x128xf32, #tpu.memory_space<hbm>>) target(%dma_start3A_469 : memref<1x128xf32, #tpu.memory_space<vmem>>) offsets(%dma_start3A_470 : memref<1xi32, #tpu.memory_space<vmem>>) semaphore(%arg10 : memref<!tpu.dma_semaphore, #tpu.memory_space<semaphore_mem>>)
      %add3A_473 = arith.constant 4 : i32
      %add3A_474 = arith.addi %mul3A_418, %add3A_473 : i32
      %slice3A_475 = vector.extract_strided_slice %gather3A_424 {offsets = [4], sizes = [1], strides = [1]} : vector<16xi32> to vector<1xi32>
      %squeeze3A_476 = vector.extract %slice3A_475[0] : i32 from vector<1xi32>
      %multiple_of3A_477 = tpu.assume_multiple %squeeze3A_476, 128 : i32
      %mul3A_478 = arith.constant 8 : i32
      %mul3A_479 = arith.muli %add3A_474, %mul3A_478 : i32
      %multiple_of3A_480 = tpu.assume_multiple %mul3A_479, 8 : i32
      %dma_start3A_481 = arith.constant 0 : i32
      %dma_start3A_482 = tpu.memref_slice %arg7[%add3A_474, %dma_start3A_481] : memref<256x128xf32, #tpu.memory_space<vmem>> -> memref<1x128xf32, #tpu.memory_space<vmem>>
      %dma_start3A_483 = tpu.memref_slice %arg6[%multiple_of3A_480] : memref<2048xi32, #tpu.memory_space<vmem>> -> memref<1xi32, #tpu.memory_space<vmem>>
      %dma_start3A_484 = arith.constant 0 : i32
      %dma_start3A_485 = tpu.memref_slice %arg3[%dma_start3A_484, %multiple_of3A_477] : memref<8192x8192xf32, #tpu.memory_space<hbm>> -> memref<8192x128xf32, #tpu.memory_space<hbm>>
      tpu.enqueue_indirect_dma source(%dma_start3A_485 : memref<8192x128xf32, #tpu.memory_space<hbm>>) target(%dma_start3A_482 : memref<1x128xf32, #tpu.memory_space<vmem>>) offsets(%dma_start3A_483 : memref<1xi32, #tpu.memory_space<vmem>>) semaphore(%arg10 : memref<!tpu.dma_semaphore, #tpu.memory_space<semaphore_mem>>)
      %add3A_486 = arith.constant 5 : i32
      %add3A_487 = arith.addi %mul3A_418, %add3A_486 : i32
      %slice3A_488 = vector.extract_strided_slice %gather3A_424 {offsets = [5], sizes = [1], strides = [1]} : vector<16xi32> to vector<1xi32>
      %squeeze3A_489 = vector.extract %slice3A_488[0] : i32 from vector<1xi32>
      %multiple_of3A_490 = tpu.assume_multiple %squeeze3A_489, 128 : i32
      %mul3A_491 = arith.constant 8 : i32
      %mul3A_492 = arith.muli %add3A_487, %mul3A_491 : i32
      %multiple_of3A_493 = tpu.assume_multiple %mul3A_492, 8 : i32
      %dma_start3A_494 = arith.constant 0 : i32
      %dma_start3A_495 = tpu.memref_slice %arg7[%add3A_487, %dma_start3A_494] : memref<256x128xf32, #tpu.memory_space<vmem>> -> memref<1x128xf32, #tpu.memory_space<vmem>>
      %dma_start3A_496 = tpu.memref_slice %arg6[%multiple_of3A_493] : memref<2048xi32, #tpu.memory_space<vmem>> -> memref<1xi32, #tpu.memory_space<vmem>>
      %dma_start3A_497 = arith.constant 0 : i32
      %dma_start3A_498 = tpu.memref_slice %arg3[%dma_start3A_497, %multiple_of3A_490] : memref<8192x8192xf32, #tpu.memory_space<hbm>> -> memref<8192x128xf32, #tpu.memory_space<hbm>>
      tpu.enqueue_indirect_dma source(%dma_start3A_498 : memref<8192x128xf32, #tpu.memory_space<hbm>>) target(%dma_start3A_495 : memref<1x128xf32, #tpu.memory_space<vmem>>) offsets(%dma_start3A_496 : memref<1xi32, #tpu.memory_space<vmem>>) semaphore(%arg10 : memref<!tpu.dma_semaphore, #tpu.memory_space<semaphore_mem>>)
      %add3A_499 = arith.constant 6 : i32
      %add3A_500 = arith.addi %mul3A_418, %add3A_499 : i32
      %slice3A_501 = vector.extract_strided_slice %gather3A_424 {offsets = [6], sizes = [1], strides = [1]} : vector<16xi32> to vector<1xi32>
      %squeeze3A_502 = vector.extract %slice3A_501[0] : i32 from vector<1xi32>
      %multiple_of3A_503 = tpu.assume_multiple %squeeze3A_502, 128 : i32
      %mul3A_504 = arith.constant 8 : i32
      %mul3A_505 = arith.muli %add3A_500, %mul3A_504 : i32
      %multiple_of3A_506 = tpu.assume_multiple %mul3A_505, 8 : i32
      %dma_start3A_507 = arith.constant 0 : i32
      %dma_start3A_508 = tpu.memref_slice %arg7[%add3A_500, %dma_start3A_507] : memref<256x128xf32, #tpu.memory_space<vmem>> -> memref<1x128xf32, #tpu.memory_space<vmem>>
      %dma_start3A_509 = tpu.memref_slice %arg6[%multiple_of3A_506] : memref<2048xi32, #tpu.memory_space<vmem>> -> memref<1xi32, #tpu.memory_space<vmem>>
      %dma_start3A_510 = arith.constant 0 : i32
      %dma_start3A_511 = tpu.memref_slice %arg3[%dma_start3A_510, %multiple_of3A_503] : memref<8192x8192xf32, #tpu.memory_space<hbm>> -> memref<8192x128xf32, #tpu.memory_space<hbm>>
      tpu.enqueue_indirect_dma source(%dma_start3A_511 : memref<8192x128xf32, #tpu.memory_space<hbm>>) target(%dma_start3A_508 : memref<1x128xf32, #tpu.memory_space<vmem>>) offsets(%dma_start3A_509 : memref<1xi32, #tpu.memory_space<vmem>>) semaphore(%arg10 : memref<!tpu.dma_semaphore, #tpu.memory_space<semaphore_mem>>)
      %add3A_512 = arith.constant 7 : i32
      %add3A_513 = arith.addi %mul3A_418, %add3A_512 : i32
      %slice3A_514 = vector.extract_strided_slice %gather3A_424 {offsets = [7], sizes = [1], strides = [1]} : vector<16xi32> to vector<1xi32>
      %squeeze3A_515 = vector.extract %slice3A_514[0] : i32 from vector<1xi32>
      %multiple_of3A_516 = tpu.assume_multiple %squeeze3A_515, 128 : i32
      %mul3A_517 = arith.constant 8 : i32
      %mul3A_518 = arith.muli %add3A_513, %mul3A_517 : i32
      %multiple_of3A_519 = tpu.assume_multiple %mul3A_518, 8 : i32
      %dma_start3A_520 = arith.constant 0 : i32
      %dma_start3A_521 = tpu.memref_slice %arg7[%add3A_513, %dma_start3A_520] : memref<256x128xf32, #tpu.memory_space<vmem>> -> memref<1x128xf32, #tpu.memory_space<vmem>>
      %dma_start3A_522 = tpu.memref_slice %arg6[%multiple_of3A_519] : memref<2048xi32, #tpu.memory_space<vmem>> -> memref<1xi32, #tpu.memory_space<vmem>>
      %dma_start3A_523 = arith.constant 0 : i32
      %dma_start3A_524 = tpu.memref_slice %arg3[%dma_start3A_523, %multiple_of3A_516] : memref<8192x8192xf32, #tpu.memory_space<hbm>> -> memref<8192x128xf32, #tpu.memory_space<hbm>>
      tpu.enqueue_indirect_dma source(%dma_start3A_524 : memref<8192x128xf32, #tpu.memory_space<hbm>>) target(%dma_start3A_521 : memref<1x128xf32, #tpu.memory_space<vmem>>) offsets(%dma_start3A_522 : memref<1xi32, #tpu.memory_space<vmem>>) semaphore(%arg10 : memref<!tpu.dma_semaphore, #tpu.memory_space<semaphore_mem>>)
    }
    %while3A_281 = arith.constant 1 : i32
    scf.for %while3A_416 = %while3A_279 to %while3A_275 step %while3A_281  : i32 {
      %mul3A_417 = arith.constant 8 : i32
      %mul3A_418 = arith.muli %while3A_416, %mul3A_417 : i32
      %and3A_419 = arith.constant 7 : i32
      %and3A_420 = vector.broadcast %and3A_419 : i32 to vector<16xi32>
      %and3A_421 = arith.andi %iota3A, %and3A_420 : vector<16xi32>
      %add3A_422 = vector.broadcast %mul3A_418 : i32 to vector<16xi32>
      %add3A_423 = arith.addi %and3A_421, %add3A_422 : vector<16xi32>
      %gather3A_424 = tpu.vector_load_idx %arg9[%add3A_423] : memref<256xi32, #tpu.memory_space<vmem>>[vector<16xi32>], vector<16xi32>,
      %add3A_425 = arith.constant 0 : i32
      %add3A_426 = arith.addi %mul3A_418, %add3A_425 : i32
      %slice3A = vector.extract_strided_slice %gather3A_424 {offsets = [0], sizes = [1], strides = [1]} : vector<16xi32> to vector<1xi32>
      %squeeze3A = vector.extract %slice3A[0] : i32 from vector<1xi32>
      %multiple_of3A = tpu.assume_multiple %squeeze3A, 128 : i32
      %mul3A_427 = arith.constant 8 : i32
      %mul3A_428 = arith.muli %add3A_426, %mul3A_427 : i32
      %multiple_of3A_429 = tpu.assume_multiple %mul3A_428, 8 : i32
      %dma_start3A = arith.constant 0 : i32
      %dma_start3A_430 = tpu.memref_slice %arg7[%add3A_426, %dma_start3A] : memref<256x128xf32, #tpu.memory_space<vmem>> -> memref<1x128xf32, #tpu.memory_space<vmem>>
      %dma_start3A_431 = tpu.memref_slice %arg6[%multiple_of3A_429] : memref<2048xi32, #tpu.memory_space<vmem>> -> memref<1xi32, #tpu.memory_space<vmem>>
      %dma_start3A_432 = arith.constant 0 : i32
      %dma_start3A_433 = tpu.memref_slice %arg3[%dma_start3A_432, %multiple_of3A] : memref<8192x8192xf32, #tpu.memory_space<hbm>> -> memref<8192x128xf32, #tpu.memory_space<hbm>>
      tpu.enqueue_indirect_dma source(%dma_start3A_433 : memref<8192x128xf32, #tpu.memory_space<hbm>>) target(%dma_start3A_430 : memref<1x128xf32, #tpu.memory_space<vmem>>) offsets(%dma_start3A_431 : memref<1xi32, #tpu.memory_space<vmem>>) semaphore(%arg10 : memref<!tpu.dma_semaphore, #tpu.memory_space<semaphore_mem>>)
      %add3A_434 = arith.constant 1 : i32
      %add3A_435 = arith.addi %mul3A_418, %add3A_434 : i32
      %slice3A_436 = vector.extract_strided_slice %gather3A_424 {offsets = [1], sizes = [1], strides = [1]} : vector<16xi32> to vector<1xi32>
      %squeeze3A_437 = vector.extract %slice3A_436[0] : i32 from vector<1xi32>
      %multiple_of3A_438 = tpu.assume_multiple %squeeze3A_437, 128 : i32
      %mul3A_439 = arith.constant 8 : i32
      %mul3A_440 = arith.muli %add3A_435, %mul3A_439 : i32
      %multiple_of3A_441 = tpu.assume_multiple %mul3A_440, 8 : i32
      %dma_start3A_442 = arith.constant 0 : i32
      %dma_start3A_443 = tpu.memref_slice %arg7[%add3A_435, %dma_start3A_442] : memref<256x128xf32, #tpu.memory_space<vmem>> -> memref<1x128xf32, #tpu.memory_space<vmem>>
      %dma_start3A_444 = tpu.memref_slice %arg6[%multiple_of3A_441] : memref<2048xi32, #tpu.memory_space<vmem>> -> memref<1xi32, #tpu.memory_space<vmem>>
      %dma_start3A_445 = arith.constant 0 : i32
      %dma_start3A_446 = tpu.memref_slice %arg3[%dma_start3A_445, %multiple_of3A_438] : memref<8192x8192xf32, #tpu.memory_space<hbm>> -> memref<8192x128xf32, #tpu.memory_space<hbm>>
      tpu.enqueue_indirect_dma source(%dma_start3A_446 : memref<8192x128xf32, #tpu.memory_space<hbm>>) target(%dma_start3A_443 : memref<1x128xf32, #tpu.memory_space<vmem>>) offsets(%dma_start3A_444 : memref<1xi32, #tpu.memory_space<vmem>>) semaphore(%arg10 : memref<!tpu.dma_semaphore, #tpu.memory_space<semaphore_mem>>)
      %add3A_447 = arith.constant 2 : i32
      %add3A_448 = arith.addi %mul3A_418, %add3A_447 : i32
      %slice3A_449 = vector.extract_strided_slice %gather3A_424 {offsets = [2], sizes = [1], strides = [1]} : vector<16xi32> to vector<1xi32>
      %squeeze3A_450 = vector.extract %slice3A_449[0] : i32 from vector<1xi32>
      %multiple_of3A_451 = tpu.assume_multiple %squeeze3A_450, 128 : i32
      %mul3A_452 = arith.constant 8 : i32
      %mul3A_453 = arith.muli %add3A_448, %mul3A_452 : i32
      %multiple_of3A_454 = tpu.assume_multiple %mul3A_453, 8 : i32
      %dma_start3A_455 = arith.constant 0 : i32
      %dma_start3A_456 = tpu.memref_slice %arg7[%add3A_448, %dma_start3A_455] : memref<256x128xf32, #tpu.memory_space<vmem>> -> memref<1x128xf32, #tpu.memory_space<vmem>>
      %dma_start3A_457 = tpu.memref_slice %arg6[%multiple_of3A_454] : memref<2048xi32, #tpu.memory_space<vmem>> -> memref<1xi32, #tpu.memory_space<vmem>>
      %dma_start3A_458 = arith.constant 0 : i32
      %dma_start3A_459 = tpu.memref_slice %arg3[%dma_start3A_458, %multiple_of3A_451] : memref<8192x8192xf32, #tpu.memory_space<hbm>> -> memref<8192x128xf32, #tpu.memory_space<hbm>>
      tpu.enqueue_indirect_dma source(%dma_start3A_459 : memref<8192x128xf32, #tpu.memory_space<hbm>>) target(%dma_start3A_456 : memref<1x128xf32, #tpu.memory_space<vmem>>) offsets(%dma_start3A_457 : memref<1xi32, #tpu.memory_space<vmem>>) semaphore(%arg10 : memref<!tpu.dma_semaphore, #tpu.memory_space<semaphore_mem>>)
      %add3A_460 = arith.constant 3 : i32
      %add3A_461 = arith.addi %mul3A_418, %add3A_460 : i32
      %slice3A_462 = vector.extract_strided_slice %gather3A_424 {offsets = [3], sizes = [1], strides = [1]} : vector<16xi32> to vector<1xi32>
      %squeeze3A_463 = vector.extract %slice3A_462[0] : i32 from vector<1xi32>
      %multiple_of3A_464 = tpu.assume_multiple %squeeze3A_463, 128 : i32
      %mul3A_465 = arith.constant 8 : i32
      %mul3A_466 = arith.muli %add3A_461, %mul3A_465 : i32
      %multiple_of3A_467 = tpu.assume_multiple %mul3A_466, 8 : i32
      %dma_start3A_468 = arith.constant 0 : i32
      %dma_start3A_469 = tpu.memref_slice %arg7[%add3A_461, %dma_start3A_468] : memref<256x128xf32, #tpu.memory_space<vmem>> -> memref<1x128xf32, #tpu.memory_space<vmem>>
      %dma_start3A_470 = tpu.memref_slice %arg6[%multiple_of3A_467] : memref<2048xi32, #tpu.memory_space<vmem>> -> memref<1xi32, #tpu.memory_space<vmem>>
      %dma_start3A_471 = arith.constant 0 : i32
      %dma_start3A_472 = tpu.memref_slice %arg3[%dma_start3A_471, %multiple_of3A_464] : memref<8192x8192xf32, #tpu.memory_space<hbm>> -> memref<8192x128xf32, #tpu.memory_space<hbm>>
      tpu.enqueue_indirect_dma source(%dma_start3A_472 : memref<8192x128xf32, #tpu.memory_space<hbm>>) target(%dma_start3A_469 : memref<1x128xf32, #tpu.memory_space<vmem>>) offsets(%dma_start3A_470 : memref<1xi32, #tpu.memory_space<vmem>>) semaphore(%arg10 : memref<!tpu.dma_semaphore, #tpu.memory_space<semaphore_mem>>)
      %add3A_473 = arith.constant 4 : i32
      %add3A_474 = arith.addi %mul3A_418, %add3A_473 : i32
      %slice3A_475 = vector.extract_strided_slice %gather3A_424 {offsets = [4], sizes = [1], strides = [1]} : vector<16xi32> to vector<1xi32>
      %squeeze3A_476 = vector.extract %slice3A_475[0] : i32 from vector<1xi32>
      %multiple_of3A_477 = tpu.assume_multiple %squeeze3A_476, 128 : i32
      %mul3A_478 = arith.constant 8 : i32
      %mul3A_479 = arith.muli %add3A_474, %mul3A_478 : i32
      %multiple_of3A_480 = tpu.assume_multiple %mul3A_479, 8 : i32
      %dma_start3A_481 = arith.constant 0 : i32
      %dma_start3A_482 = tpu.memref_slice %arg7[%add3A_474, %dma_start3A_481] : memref<256x128xf32, #tpu.memory_space<vmem>> -> memref<1x128xf32, #tpu.memory_space<vmem>>
      %dma_start3A_483 = tpu.memref_slice %arg6[%multiple_of3A_480] : memref<2048xi32, #tpu.memory_space<vmem>> -> memref<1xi32, #tpu.memory_space<vmem>>
      %dma_start3A_484 = arith.constant 0 : i32
      %dma_start3A_485 = tpu.memref_slice %arg3[%dma_start3A_484, %multiple_of3A_477] : memref<8192x8192xf32, #tpu.memory_space<hbm>> -> memref<8192x128xf32, #tpu.memory_space<hbm>>
      tpu.enqueue_indirect_dma source(%dma_start3A_485 : memref<8192x128xf32, #tpu.memory_space<hbm>>) target(%dma_start3A_482 : memref<1x128xf32, #tpu.memory_space<vmem>>) offsets(%dma_start3A_483 : memref<1xi32, #tpu.memory_space<vmem>>) semaphore(%arg10 : memref<!tpu.dma_semaphore, #tpu.memory_space<semaphore_mem>>)
      %add3A_486 = arith.constant 5 : i32
      %add3A_487 = arith.addi %mul3A_418, %add3A_486 : i32
      %slice3A_488 = vector.extract_strided_slice %gather3A_424 {offsets = [5], sizes = [1], strides = [1]} : vector<16xi32> to vector<1xi32>
      %squeeze3A_489 = vector.extract %slice3A_488[0] : i32 from vector<1xi32>
      %multiple_of3A_490 = tpu.assume_multiple %squeeze3A_489, 128 : i32
      %mul3A_491 = arith.constant 8 : i32
      %mul3A_492 = arith.muli %add3A_487, %mul3A_491 : i32
      %multiple_of3A_493 = tpu.assume_multiple %mul3A_492, 8 : i32
      %dma_start3A_494 = arith.constant 0 : i32
      %dma_start3A_495 = tpu.memref_slice %arg7[%add3A_487, %dma_start3A_494] : memref<256x128xf32, #tpu.memory_space<vmem>> -> memref<1x128xf32, #tpu.memory_space<vmem>>
      %dma_start3A_496 = tpu.memref_slice %arg6[%multiple_of3A_493] : memref<2048xi32, #tpu.memory_space<vmem>> -> memref<1xi32, #tpu.memory_space<vmem>>
      %dma_start3A_497 = arith.constant 0 : i32
      %dma_start3A_498 = tpu.memref_slice %arg3[%dma_start3A_497, %multiple_of3A_490] : memref<8192x8192xf32, #tpu.memory_space<hbm>> -> memref<8192x128xf32, #tpu.memory_space<hbm>>
      tpu.enqueue_indirect_dma source(%dma_start3A_498 : memref<8192x128xf32, #tpu.memory_space<hbm>>) target(%dma_start3A_495 : memref<1x128xf32, #tpu.memory_space<vmem>>) offsets(%dma_start3A_496 : memref<1xi32, #tpu.memory_space<vmem>>) semaphore(%arg10 : memref<!tpu.dma_semaphore, #tpu.memory_space<semaphore_mem>>)
      %add3A_499 = arith.constant 6 : i32
      %add3A_500 = arith.addi %mul3A_418, %add3A_499 : i32
      %slice3A_501 = vector.extract_strided_slice %gather3A_424 {offsets = [6], sizes = [1], strides = [1]} : vector<16xi32> to vector<1xi32>
      %squeeze3A_502 = vector.extract %slice3A_501[0] : i32 from vector<1xi32>
      %multiple_of3A_503 = tpu.assume_multiple %squeeze3A_502, 128 : i32
      %mul3A_504 = arith.constant 8 : i32
      %mul3A_505 = arith.muli %add3A_500, %mul3A_504 : i32
      %multiple_of3A_506 = tpu.assume_multiple %mul3A_505, 8 : i32
      %dma_start3A_507 = arith.constant 0 : i32
      %dma_start3A_508 = tpu.memref_slice %arg7[%add3A_500, %dma_start3A_507] : memref<256x128xf32, #tpu.memory_space<vmem>> -> memref<1x128xf32, #tpu.memory_space<vmem>>
      %dma_start3A_509 = tpu.memref_slice %arg6[%multiple_of3A_506] : memref<2048xi32, #tpu.memory_space<vmem>> -> memref<1xi32, #tpu.memory_space<vmem>>
      %dma_start3A_510 = arith.constant 0 : i32
      %dma_start3A_511 = tpu.memref_slice %arg3[%dma_start3A_510, %multiple_of3A_503] : memref<8192x8192xf32, #tpu.memory_space<hbm>> -> memref<8192x128xf32, #tpu.memory_space<hbm>>
      tpu.enqueue_indirect_dma source(%dma_start3A_511 : memref<8192x128xf32, #tpu.memory_space<hbm>>) target(%dma_start3A_508 : memref<1x128xf32, #tpu.memory_space<vmem>>) offsets(%dma_start3A_509 : memref<1xi32, #tpu.memory_space<vmem>>) semaphore(%arg10 : memref<!tpu.dma_semaphore, #tpu.memory_space<semaphore_mem>>)
      %add3A_512 = arith.constant 7 : i32
      %add3A_513 = arith.addi %mul3A_418, %add3A_512 : i32
      %slice3A_514 = vector.extract_strided_slice %gather3A_424 {offsets = [7], sizes = [1], strides = [1]} : vector<16xi32> to vector<1xi32>
      %squeeze3A_515 = vector.extract %slice3A_514[0] : i32 from vector<1xi32>
      %multiple_of3A_516 = tpu.assume_multiple %squeeze3A_515, 128 : i32
      %mul3A_517 = arith.constant 8 : i32
      %mul3A_518 = arith.muli %add3A_513, %mul3A_517 : i32
      %multiple_of3A_519 = tpu.assume_multiple %mul3A_518, 8 : i32
      %dma_start3A_520 = arith.constant 0 : i32
      %dma_start3A_521 = tpu.memref_slice %arg7[%add3A_513, %dma_start3A_520] : memref<256x128xf32, #tpu.memory_space<vmem>> -> memref<1x128xf32, #tpu.memory_space<vmem>>
      %dma_start3A_522 = tpu.memref_slice %arg6[%multiple_of3A_519] : memref<2048xi32, #tpu.memory_space<vmem>> -> memref<1xi32, #tpu.memory_space<vmem>>
      %dma_start3A_523 = arith.constant 0 : i32
      %dma_start3A_524 = tpu.memref_slice %arg3[%dma_start3A_523, %multiple_of3A_516] : memref<8192x8192xf32, #tpu.memory_space<hbm>> -> memref<8192x128xf32, #tpu.memory_space<hbm>>
      tpu.enqueue_indirect_dma source(%dma_start3A_524 : memref<8192x128xf32, #tpu.memory_space<hbm>>) target(%dma_start3A_521 : memref<1x128xf32, #tpu.memory_space<vmem>>) offsets(%dma_start3A_522 : memref<1xi32, #tpu.memory_space<vmem>>) semaphore(%arg10 : memref<!tpu.dma_semaphore, #tpu.memory_space<semaphore_mem>>)
    }
    %dma_wait3A = arith.constant 0 : i32
    %dma_wait3A_282 = arith.constant 0 : i32
    %dma_wait3A_283 = tpu.memref_slice %arg3[%dma_wait3A, %dma_wait3A_282] : memref<8192x8192xf32, #tpu.memory_space<hbm>> -> memref<256x128xf32, #tpu.memory_space<hbm>>
    %dma_wait3A_284 = arith.constant 0 : i32
    %dma_wait3A_285 = arith.constant 0 : i32
    %dma_wait3A_286 = tpu.memref_slice %arg3[%dma_wait3A_284, %dma_wait3A_285] : memref<8192x8192xf32, #tpu.memory_space<hbm>> -> memref<256x128xf32, #tpu.memory_space<hbm>>
    tpu.wait_dma2 semaphore(%arg10 : memref<!tpu.dma_semaphore, #tpu.memory_space<semaphore_mem>>) src(%dma_wait3A_286 : memref<256x128xf32, #tpu.memory_space<hbm>>) dst(%arg7 : memref<256x128xf32, #tpu.memory_space<vmem>>)
    %broadcast_in_dim3A = arith.constant 0.000000e+00 : f32
    %broadcast_in_dim3A_287 = vector.broadcast %broadcast_in_dim3A : f32 to vector<16xf32>
    %add3A_288 = arith.constant 0 : i32
    %add3A_289 = vector.broadcast %add3A_288 : i32 to vector<16xi32>
    %add3A_290 = arith.addi %add3A_289, %iota3A : vector<16xi32>
    %and3A_291 = arith.constant 127 : i32
    %and3A_292 = vector.broadcast %and3A_291 : i32 to vector<16xi32>
    %and3A_293 = arith.andi %get3A_3, %and3A_292 : vector<16xi32>
    %gather3A = tpu.vector_load_idx %arg7[%add3A_290, %and3A_293] : memref<256x128xf32, #tpu.memory_space<vmem>>[vector<16xi32>, vector<16xi32>], vector<16xf32>,
    %sub3A = arith.subf %broadcast_in_dim3A_287, %gather3A : vector<16xf32>
    %add3A_294 = arith.constant 16 : i32
    %add3A_295 = vector.broadcast %add3A_294 : i32 to vector<16xi32>
    %add3A_296 = arith.addi %add3A_295, %iota3A : vector<16xi32>
    %and3A_297 = arith.constant 127 : i32
    %and3A_298 = vector.broadcast %and3A_297 : i32 to vector<16xi32>
    %and3A_299 = arith.andi %get3A_18, %and3A_298 : vector<16xi32>
    %gather3A_300 = tpu.vector_load_idx %arg7[%add3A_296, %and3A_299] : memref<256x128xf32, #tpu.memory_space<vmem>>[vector<16xi32>, vector<16xi32>], vector<16xf32>,
    %sub3A_301 = arith.subf %sub3A, %gather3A_300 : vector<16xf32>
    %add3A_302 = arith.constant 32 : i32
    %add3A_303 = vector.broadcast %add3A_302 : i32 to vector<16xi32>
    %add3A_304 = arith.addi %add3A_303, %iota3A : vector<16xi32>
    %and3A_305 = arith.constant 127 : i32
    %and3A_306 = vector.broadcast %and3A_305 : i32 to vector<16xi32>
    %and3A_307 = arith.andi %get3A_35, %and3A_306 : vector<16xi32>
    %gather3A_308 = tpu.vector_load_idx %arg7[%add3A_304, %and3A_307] : memref<256x128xf32, #tpu.memory_space<vmem>>[vector<16xi32>, vector<16xi32>], vector<16xf32>,
    %sub3A_309 = arith.subf %sub3A_301, %gather3A_308 : vector<16xf32>
    %add3A_310 = arith.constant 48 : i32
    %add3A_311 = vector.broadcast %add3A_310 : i32 to vector<16xi32>
    %add3A_312 = arith.addi %add3A_311, %iota3A : vector<16xi32>
    %and3A_313 = arith.constant 127 : i32
    %and3A_314 = vector.broadcast %and3A_313 : i32 to vector<16xi32>
    %and3A_315 = arith.andi %get3A_52, %and3A_314 : vector<16xi32>
    %gather3A_316 = tpu.vector_load_idx %arg7[%add3A_312, %and3A_315] : memref<256x128xf32, #tpu.memory_space<vmem>>[vector<16xi32>, vector<16xi32>], vector<16xf32>,
    %sub3A_317 = arith.subf %sub3A_309, %gather3A_316 : vector<16xf32>
    %add3A_318 = arith.constant 64 : i32
    %add3A_319 = vector.broadcast %add3A_318 : i32 to vector<16xi32>
    %add3A_320 = arith.addi %add3A_319, %iota3A : vector<16xi32>
    %and3A_321 = arith.constant 127 : i32
    %and3A_322 = vector.broadcast %and3A_321 : i32 to vector<16xi32>
    %and3A_323 = arith.andi %get3A_69, %and3A_322 : vector<16xi32>
    %gather3A_324 = tpu.vector_load_idx %arg7[%add3A_320, %and3A_323] : memref<256x128xf32, #tpu.memory_space<vmem>>[vector<16xi32>, vector<16xi32>], vector<16xf32>,
    %sub3A_325 = arith.subf %sub3A_317, %gather3A_324 : vector<16xf32>
    %add3A_326 = arith.constant 80 : i32
    %add3A_327 = vector.broadcast %add3A_326 : i32 to vector<16xi32>
    %add3A_328 = arith.addi %add3A_327, %iota3A : vector<16xi32>
    %and3A_329 = arith.constant 127 : i32
    %and3A_330 = vector.broadcast %and3A_329 : i32 to vector<16xi32>
    %and3A_331 = arith.andi %get3A_86, %and3A_330 : vector<16xi32>
    %gather3A_332 = tpu.vector_load_idx %arg7[%add3A_328, %and3A_331] : memref<256x128xf32, #tpu.memory_space<vmem>>[vector<16xi32>, vector<16xi32>], vector<16xf32>,
    %sub3A_333 = arith.subf %sub3A_325, %gather3A_332 : vector<16xf32>
    %add3A_334 = arith.constant 96 : i32
    %add3A_335 = vector.broadcast %add3A_334 : i32 to vector<16xi32>
    %add3A_336 = arith.addi %add3A_335, %iota3A : vector<16xi32>
    %and3A_337 = arith.constant 127 : i32
    %and3A_338 = vector.broadcast %and3A_337 : i32 to vector<16xi32>
    %and3A_339 = arith.andi %get3A_103, %and3A_338 : vector<16xi32>
    %gather3A_340 = tpu.vector_load_idx %arg7[%add3A_336, %and3A_339] : memref<256x128xf32, #tpu.memory_space<vmem>>[vector<16xi32>, vector<16xi32>], vector<16xf32>,
    %sub3A_341 = arith.subf %sub3A_333, %gather3A_340 : vector<16xf32>
    %add3A_342 = arith.constant 112 : i32
    %add3A_343 = vector.broadcast %add3A_342 : i32 to vector<16xi32>
    %add3A_344 = arith.addi %add3A_343, %iota3A : vector<16xi32>
    %and3A_345 = arith.constant 127 : i32
    %and3A_346 = vector.broadcast %and3A_345 : i32 to vector<16xi32>
    %and3A_347 = arith.andi %get3A_120, %and3A_346 : vector<16xi32>
    %gather3A_348 = tpu.vector_load_idx %arg7[%add3A_344, %and3A_347] : memref<256x128xf32, #tpu.memory_space<vmem>>[vector<16xi32>, vector<16xi32>], vector<16xf32>,
    %sub3A_349 = arith.subf %sub3A_341, %gather3A_348 : vector<16xf32>
    %add3A_350 = arith.constant 128 : i32
    %add3A_351 = vector.broadcast %add3A_350 : i32 to vector<16xi32>
    %add3A_352 = arith.addi %add3A_351, %iota3A : vector<16xi32>
    %and3A_353 = arith.constant 127 : i32
    %and3A_354 = vector.broadcast %and3A_353 : i32 to vector<16xi32>
    %and3A_355 = arith.andi %get3A_137, %and3A_354 : vector<16xi32>
    %gather3A_356 = tpu.vector_load_idx %arg7[%add3A_352, %and3A_355] : memref<256x128xf32, #tpu.memory_space<vmem>>[vector<16xi32>, vector<16xi32>], vector<16xf32>,
    %sub3A_357 = arith.subf %sub3A_349, %gather3A_356 : vector<16xf32>
    %add3A_358 = arith.constant 144 : i32
    %add3A_359 = vector.broadcast %add3A_358 : i32 to vector<16xi32>
    %add3A_360 = arith.addi %add3A_359, %iota3A : vector<16xi32>
    %and3A_361 = arith.constant 127 : i32
    %and3A_362 = vector.broadcast %and3A_361 : i32 to vector<16xi32>
    %and3A_363 = arith.andi %get3A_154, %and3A_362 : vector<16xi32>
    %gather3A_364 = tpu.vector_load_idx %arg7[%add3A_360, %and3A_363] : memref<256x128xf32, #tpu.memory_space<vmem>>[vector<16xi32>, vector<16xi32>], vector<16xf32>,
    %sub3A_365 = arith.subf %sub3A_357, %gather3A_364 : vector<16xf32>
    %add3A_366 = arith.constant 160 : i32
    %add3A_367 = vector.broadcast %add3A_366 : i32 to vector<16xi32>
    %add3A_368 = arith.addi %add3A_367, %iota3A : vector<16xi32>
    %and3A_369 = arith.constant 127 : i32
    %and3A_370 = vector.broadcast %and3A_369 : i32 to vector<16xi32>
    %and3A_371 = arith.andi %get3A_171, %and3A_370 : vector<16xi32>
    %gather3A_372 = tpu.vector_load_idx %arg7[%add3A_368, %and3A_371] : memref<256x128xf32, #tpu.memory_space<vmem>>[vector<16xi32>, vector<16xi32>], vector<16xf32>,
    %sub3A_373 = arith.subf %sub3A_365, %gather3A_372 : vector<16xf32>
    %add3A_374 = arith.constant 176 : i32
    %add3A_375 = vector.broadcast %add3A_374 : i32 to vector<16xi32>
    %add3A_376 = arith.addi %add3A_375, %iota3A : vector<16xi32>
    %and3A_377 = arith.constant 127 : i32
    %and3A_378 = vector.broadcast %and3A_377 : i32 to vector<16xi32>
    %and3A_379 = arith.andi %get3A_188, %and3A_378 : vector<16xi32>
    %gather3A_380 = tpu.vector_load_idx %arg7[%add3A_376, %and3A_379] : memref<256x128xf32, #tpu.memory_space<vmem>>[vector<16xi32>, vector<16xi32>], vector<16xf32>,
    %sub3A_381 = arith.subf %sub3A_373, %gather3A_380 : vector<16xf32>
    %add3A_382 = arith.constant 192 : i32
    %add3A_383 = vector.broadcast %add3A_382 : i32 to vector<16xi32>
    %add3A_384 = arith.addi %add3A_383, %iota3A : vector<16xi32>
    %and3A_385 = arith.constant 127 : i32
    %and3A_386 = vector.broadcast %and3A_385 : i32 to vector<16xi32>
    %and3A_387 = arith.andi %get3A_205, %and3A_386 : vector<16xi32>
    %gather3A_388 = tpu.vector_load_idx %arg7[%add3A_384, %and3A_387] : memref<256x128xf32, #tpu.memory_space<vmem>>[vector<16xi32>, vector<16xi32>], vector<16xf32>,
    %sub3A_389 = arith.subf %sub3A_381, %gather3A_388 : vector<16xf32>
    %add3A_390 = arith.constant 208 : i32
    %add3A_391 = vector.broadcast %add3A_390 : i32 to vector<16xi32>
    %add3A_392 = arith.addi %add3A_391, %iota3A : vector<16xi32>
    %and3A_393 = arith.constant 127 : i32
    %and3A_394 = vector.broadcast %and3A_393 : i32 to vector<16xi32>
    %and3A_395 = arith.andi %get3A_222, %and3A_394 : vector<16xi32>
    %gather3A_396 = tpu.vector_load_idx %arg7[%add3A_392, %and3A_395] : memref<256x128xf32, #tpu.memory_space<vmem>>[vector<16xi32>, vector<16xi32>], vector<16xf32>,
    %sub3A_397 = arith.subf %sub3A_389, %gather3A_396 : vector<16xf32>
    %add3A_398 = arith.constant 224 : i32
    %add3A_399 = vector.broadcast %add3A_398 : i32 to vector<16xi32>
    %add3A_400 = arith.addi %add3A_399, %iota3A : vector<16xi32>
    %and3A_401 = arith.constant 127 : i32
    %and3A_402 = vector.broadcast %and3A_401 : i32 to vector<16xi32>
    %and3A_403 = arith.andi %get3A_239, %and3A_402 : vector<16xi32>
    %gather3A_404 = tpu.vector_load_idx %arg7[%add3A_400, %and3A_403] : memref<256x128xf32, #tpu.memory_space<vmem>>[vector<16xi32>, vector<16xi32>], vector<16xf32>,
    %sub3A_405 = arith.subf %sub3A_397, %gather3A_404 : vector<16xf32>
    %add3A_406 = arith.constant 240 : i32
    %add3A_407 = vector.broadcast %add3A_406 : i32 to vector<16xi32>
    %add3A_408 = arith.addi %add3A_407, %iota3A : vector<16xi32>
    %and3A_409 = arith.constant 127 : i32
    %and3A_410 = vector.broadcast %and3A_409 : i32 to vector<16xi32>
    %and3A_411 = arith.andi %get3A_256, %and3A_410 : vector<16xi32>
    %gather3A_412 = tpu.vector_load_idx %arg7[%add3A_408, %and3A_411] : memref<256x128xf32, #tpu.memory_space<vmem>>[vector<16xi32>, vector<16xi32>], vector<16xf32>,
    %sub3A_413 = arith.subf %sub3A_405, %gather3A_412 : vector<16xf32>
    %swap3A_414 = arith.constant 0 : index
    %swap3A_415 = tpu.vector_load %arg8[%swap3A_414] {strides = array<i32>} : memref<16xf32, #tpu.memory_space<vmem>>, vector<16xf32>,
    tpu.vector_store %arg8[%swap3A_414], %sub3A_413 {strides = array<i32>} : memref<16xf32, #tpu.memory_space<vmem>>, vector<16xf32>,
    "tpu.region"() ({
      %run_scoped3A = tpu.sem_alloc : memref<!tpu.dma_semaphore, #tpu.memory_space<semaphore_mem>>
      %dma_start3A = arith.constant 0 : i32
      %dma_start3A_416 = tpu.memref_slice %arg4[%add3A, %dma_start3A] : memref<32x16xf32, #tpu.memory_space<hbm>> -> memref<1x16xf32, #tpu.memory_space<hbm>>
      %dma_start3A_417 = tpu.memref_squeeze %dma_start3A_416 : memref<1x16xf32, #tpu.memory_space<hbm>> -> memref<16xf32, #tpu.memory_space<hbm>>
      %dma_start3A_418 = arith.constant 0 : i32
      %dma_start3A_419 = tpu.memref_slice %arg4[%add3A, %dma_start3A_418] : memref<32x16xf32, #tpu.memory_space<hbm>> -> memref<1x16xf32, #tpu.memory_space<hbm>>
      %dma_start3A_420 = tpu.memref_squeeze %dma_start3A_419 : memref<1x16xf32, #tpu.memory_space<hbm>> -> memref<16xf32, #tpu.memory_space<hbm>>
      tpu.enqueue_dma source(%arg8 : memref<16xf32, #tpu.memory_space<vmem>>) target(%dma_start3A_420 : memref<16xf32, #tpu.memory_space<hbm>>) target_semaphore(%run_scoped3A : memref<!tpu.dma_semaphore, #tpu.memory_space<semaphore_mem>>)
      %dma_wait3A_421 = arith.constant 0 : i32
      %dma_wait3A_422 = tpu.memref_slice %arg4[%add3A, %dma_wait3A_421] : memref<32x16xf32, #tpu.memory_space<hbm>> -> memref<1x16xf32, #tpu.memory_space<hbm>>
      %dma_wait3A_423 = tpu.memref_squeeze %dma_wait3A_422 : memref<1x16xf32, #tpu.memory_space<hbm>> -> memref<16xf32, #tpu.memory_space<hbm>>
      %dma_wait3A_424 = arith.constant 0 : i32
      %dma_wait3A_425 = tpu.memref_slice %arg4[%add3A, %dma_wait3A_424] : memref<32x16xf32, #tpu.memory_space<hbm>> -> memref<1x16xf32, #tpu.memory_space<hbm>>
      %dma_wait3A_426 = tpu.memref_squeeze %dma_wait3A_425 : memref<1x16xf32, #tpu.memory_space<hbm>> -> memref<16xf32, #tpu.memory_space<hbm>>
      tpu.wait_dma2 semaphore(%run_scoped3A : memref<!tpu.dma_semaphore, #tpu.memory_space<semaphore_mem>>) src(%arg8 : memref<16xf32, #tpu.memory_space<vmem>>) dst(%dma_wait3A_426 : memref<16xf32, #tpu.memory_space<hbm>>)
      tpu.yield
    }) : () -> ()
    return
  }
}

</mosaic_0001>

<sc_bundles>
// kernel: kernel.3.cloned.1.call-start
scs
__scs_entry_jumppad:
0x0: {  	(pc) =	sbr.rel $0x88, $3  }
0x1: {  	(tag) =	ssettag $0x0;
	lr =	simm.s32 $0x1  }
0x2: {  	[smem:$0x3F9F] =	sst lr;
	_ =	strace $0xD0000000  }
0x3: {  	_ = 	snop  }
0x4: {  	_ = 	snop  }
0x5: {  	_ = 	snop  }
0x6: {  	_ = 	snop  }
0x7: {  	_ = 	snop  }
__scs_overlays_trampoline_lowered:
0x8: {  	[smem:$0x3FAE] =	sst s0  }
0x9: {  	[smem:$0x3FAF] =	sst s1  }
0xa: {  	[smem:$0x3FB0] =	sst s2  }
0xb: {  	[smem:$0x3FB1] =	sst s3  }
0xc: {  	[smem:$0x3FB2] =	sst s4  }
0xd: {  	[smem:$0x3FB3] =	sst s5  }
0xe: {  	[smem:$0x3FB4] =	sst s6  }
0xf: {  	[smem:$0x3FB5] =	sst s7  }
0x10: {  	[smem:$0x3FB6] =	sst s8  }
0x11: {  	[smem:$0x3FB7] =	sst s9;
	s0 =	simm.s32 @!p0 $0x0  }
0x12: {  	s1 =	sld [smem:$0x3F9D];
	s0 =	simm.s32 @p0 $0x1  }
0x13: {  	[smem:$0x3FB8] =	sst s0;
	s0 =	simm.s32 @!p1 $0x0  }
0x14: {  	s2 =	sld [smem:$0x3F9C];
	s0 =	simm.s32 @p1 $0x1  }
0x15: {  	[smem:$0x3FB9] =	sst s0;
	s0 =	simm.s32 @!p2 $0x0  }
0x16: {  	s3 =	sld [smem:$0x3FDB];
	s0 =	simm.s32 @p2 $0x1  }
0x17: {  	s4 =	simm.s32 $0x1BF5;
	[smem:$0x3FBB] =	sst s0  }
0x18: {  	s0 =	sld [smem:$0x3F9E];
	_ =	swait.ge [sflag:s4], $0x0  }
0x19: {  	s7 =	sld [smem:$0x3F9F]  }
0x1a: {  	s8 =	sadd.s32 $0xFFFFE003, lr  }
0x1b: {  	s9 =	sadd.s32 $0xFFFFFEF7, lr;
	s5 =	simm.s32 $0xFFFFFFFF;
	p2 =	slt.u32 s8, $0xFFFFF086  }
0x1c: {  	p1 =	slt.u32 s9, $0xF7A;
	s5 =	simm.s32 @!p2 $0x0  }
0x1d: {  	s5 =	simm.s32 @p1 $0x1;
	p0 =	seq.s32 s7, s2  }
0x1e: {  	s7 =	smul.u32 @!p0 $0xF7A, s2;
	p2 =	seq.s32 @!p0 s5, $0x0  }
0x1f: {  	s9 =	smul.u32 $0xF7A, s1;
	s8 =	simm.s32 @!p0 $0x1BF5;
	p2 =	por !p2, p0  }
0x20: {  	[sflag:s8] =	ssyncset.s32 @!p0 $0xFFFFF086;
	s6 =	sadd.s32 @!p0 s3, s7;
	s7 =	simm.s32 @!p0 $0x108  }
0x21: {  	s3 =	sadd.s32 s3, s9;
	s6 =	sadd.s32 @!p0 $0x88, s6;
	s7 =	simm.s32 @p2 $0x1082  }
0x22: {  	[simem:s7], [sflag:s8] =	dma.local @!p0 [hbm:s6], $0xF7A  }
0x23: {  	s9 =	sor.u32 $0xD0000000, s2;
	s6 =	simm.s32 $0x108;
	_ =	swait.ge @!p0 [sflag:s8], $0x0  }
0x24: {  	s3 =	sadd.s32 $0x88, s3;
	s6 =	simm.s32 @!p1 $0x1082;
	[sflag:s4] =	ssyncset.s32 $0xFFFFF086  }
0x25: {  	[simem:s6], [sflag:s4] =	dma.local [hbm:s3], $0xF7A  }
0x26: {  	[smem:$0x3F9F] =	sst s1;
	(tag) =	ssettag s2;
	_ =	strace s9  }
0x27: {  	s1 =	sld [smem:$0x3FAF]  }
0x28: {  	s2 =	sld [smem:$0x3FB0]  }
0x29: {  	s4 =	sld [smem:$0x3FB2]  }
0x2a: {  	p0 =	seq.s32 s5, $0x0;
	s5 =	sld [smem:$0x3FB3]  }
0x2b: {  	s6 =	sld [smem:$0x3FB4]  }
0x2c: {  	s7 =	sld [smem:$0x3FB5]  }
0x2d: {  	s3 =	simm.s32 $0x108;
	s8 =	sld [smem:$0x3FB6]  }
0x2e: {  	s3 =	simm.s32 @!p0 $0x1082;
	s9 =	sld [smem:$0x3FB7]  }
0x2f: {  	lr =	sadd.s32 s0, s3;
	s0 =	sld [smem:$0x3FAE]  }
0x30: {  	s3 =	sld [smem:$0x3FB1]  }
0x31: {  	[smem:$0x3FBA] =	sst s10  }
0x32: {  	s10 =	sld [smem:$0x3FB8];
	_ =	sdelay $0x3  }
0x33: {  	p0 =	seq.s32 s10, $0x1;
	s10 =	sld [smem:$0x3FBA];
	_ =	sdelay $0x3  }
0x34: {  	[smem:$0x3FBA] =	sst s10  }
0x35: {  	s10 =	sld [smem:$0x3FB9];
	_ =	sdelay $0x3  }
0x36: {  	p1 =	seq.s32 s10, $0x1;
	s10 =	sld [smem:$0x3FBA];
	_ =	sdelay $0x3  }
0x37: {  	[smem:$0x3FBA] =	sst s10  }
0x38: {  	s10 =	sld [smem:$0x3FBB]  }
0x39: {  	_ = 	snop;
	(pc) =	sbr.ind lr, $3  }
0x3a: {  	_ = 	snop  }
0x3b: {  	_ = 	snop  }
0x3c: {  	p2 =	seq.s32 s10, $0x1;
	s10 =	sld [smem:$0x3FBA]  }
0x3d: {  	_ =	shalt  }
0x3e: {  	_ =	shalt  }
0x3f: {  	_ =	shalt  }
0x40: {  	_ =	shalt  }
0x41: {  	_ =	shalt  }
0x42: {  	_ =	shalt  }
0x43: {  	_ =	shalt  }
0x44: {  	_ =	shalt  }
0x45: {  	_ =	shalt  }
0x46: {  	_ =	shalt  }
0x47: {  	_ =	shalt  }
0x48: {  	_ =	shalt  }
0x49: {  	_ =	shalt  }
0x4a: {  	_ =	shalt  }
0x4b: {  	_ =	shalt  }
0x4c: {  	_ =	shalt  }
0x4d: {  	_ =	shalt  }
0x4e: {  	_ =	shalt  }
0x4f: {  	_ =	shalt  }
0x50: {  	_ =	shalt  }
0x51: {  	_ =	shalt  }
0x52: {  	_ =	shalt  }
0x53: {  	_ =	shalt  }
0x54: {  	_ =	shalt  }
0x55: {  	_ =	shalt  }
0x56: {  	_ =	shalt  }
0x57: {  	_ =	shalt  }
0x58: {  	_ =	shalt  }
0x59: {  	_ =	shalt  }
0x5a: {  	_ =	shalt  }
0x5b: {  	_ =	shalt  }
0x5c: {  	_ =	shalt  }
0x5d: {  	_ =	shalt  }
0x5e: {  	_ =	shalt  }
0x5f: {  	_ =	shalt  }
0x60: {  	_ =	shalt  }
0x61: {  	_ =	shalt  }
0x62: {  	_ =	shalt  }
0x63: {  	_ =	shalt  }
0x64: {  	_ =	shalt  }
0x65: {  	_ =	shalt  }
0x66: {  	_ =	shalt  }
0x67: {  	_ =	shalt  }
0x68: {  	_ =	shalt  }
0x69: {  	_ =	shalt  }
0x6a: {  	_ =	shalt  }
0x6b: {  	_ =	shalt  }
0x6c: {  	_ =	shalt  }
0x6d: {  	_ =	shalt  }
0x6e: {  	_ =	shalt  }
0x6f: {  	_ =	shalt  }
0x70: {  	_ =	shalt  }
0x71: {  	_ =	shalt  }
0x72: {  	_ =	shalt  }
0x73: {  	_ =	shalt  }
0x74: {  	_ =	shalt  }
0x75: {  	_ =	shalt  }
0x76: {  	_ =	shalt  }
0x77: {  	_ =	shalt  }
0x78: {  	_ =	shalt  }
0x79: {  	_ =	shalt  }
0x7a: {  	_ =	shalt  }
0x7b: {  	_ =	shalt  }
0x7c: {  	_ =	shalt  }
0x7d: {  	_ =	shalt  }
0x7e: {  	_ =	shalt  }
0x7f: {  	_ =	shalt  }
0x80: {  	_ =	shalt  }
0x81: {  	_ =	shalt  }
0x82: {  	_ =	shalt  }
0x83: {  	_ =	shalt  }
0x84: {  	_ =	shalt  }
0x85: {  	_ =	shalt  }
0x86: {  	_ =	shalt  }
0x87: {  	_ =	shalt  }
.Lfunc_end0:
.L_simem_size_0:
called_computation_lowered:
.L_overlay_start_0:
0x88: {  	s2 =	sld [smem:$0x3FD9]  }
0x89: {  	s3 =	sld [smem:$0x3FFE];
	_ =	sdelay $0x1  }
0x8a: {  	s1 =	srdreg.scid  }
0x8b: {  	s0 =	sand.u32 $0x1, s1  }
0x8c: {  	s17 =	sshll.u32 s0, $0xA;
	s2 =	sadd.s32 s3, s2  }
0x8d: {  	s2 =	sadd.s32 s2, s17  }
0x8e: {  	[smem:$0x3FC6] =	sst s2  }
0x8f: {  	_ = 	snop  }
0x90: {  	s2 =	sld [smem:$0x3FC9];
	(tm) =	ssettm $0x1  }
0x91: {  	s18 =	sld [smem:$0x3FFB];
	_ =	sdelay $0x3  }
0x92: {  	_ =	strace s18  }
0x93: {  	s3 =	sld [smem:$0x3FFC];
	_ =	sdelay $0x3  }
0x94: {  	_ =	strace s3  }
0x95: {  	s3 =	sld [smem:$0x3FFD];
	_ =	sdelay $0x3  }
0x96: {  	_ =	strace s3  }
0x97: {  	_ =	strace $0x8FFFFFFF  }
0x98: {  	s19 =	sld [smem:$0x3FDB];
	_ =	sdelay $0x1  }
0x99: {  	s4 =	simm.s32 $_scs_section_size  }
0x9a: {  	s5 =	simm.s32 $_size__tile_overlayer_lowered;
	s6 =	simm.s32 $_tile_overlayer_lowered  }
0x9b: {  	s22 =	simm.s32 $0x1BFF;
	s21 =	sshll.u32 s6, $0x1;
	s3 =	sadd.s32 s4, s19  }
0x9c: {  	s7 =	simm.s32 $0x0;
	s20 =	sshll.u32 s5, $0x1;
	s5 =	sadd.s32 s21, s3  }
0x9d: {  	[timem:s7], [sflag:s22] =	dma.local [hbm:s5], s20  }
0x9e: {  	_ =	swait.ge [sflag:s22], s20  }
0x9f: {  	s4 =	ssub.s32 $0x0, s20;
	[sflag:s22] =	ssyncset.done $0x0  }
0xa0: {  	[sflag:s22] =	ssyncadd.s32 s4;
	_ =	sdelay $0x1  }
0xa1: {  	s23 =	simm.s32 $0x1B8B  }
0xa2: {  	_ =	swait.ge [sflag:s23], $0x1  }
0xa3: {  	[sflag:s23] =	ssyncset.done $0x0  }
0xa4: {  	s25 =	simm.s32 $0x1B8E;
	s24 =	sld [smem:$0x3FFE];
	[sflag:s23] =	ssyncadd.s32 $0xFFFFFFFF  }
0xa5: {  	s26 =	simm.s32 $execute0_lowered;
	[smem:$0x3FD2] =	sst s25  }
0xa6: {  	s5 =	sshll.u32 s26, $0x1;
	_ =	strace $0x80000046;
	[dreg:$0x1] =	wrdreg $0xFFFFFFFF  }
0xa7: {  	s28 =	simm.s32 $_size_execute0_lowered;
	s3 =	sadd.s32 s3, s5;
	[dreg:$0x0] =	wrdreg $0x0  }
0xa8: {  	s5 =	sshll.u32 s28, $0x1;
	[dreg:$0x2] =	wrdreg s3  }
0xa9: {  	[dreg:$0x3] =	wrdreg s5  }
0xaa: {  	[dreg:$0x4] =	wrdreg $0xC0  }
0xab: {  	_ =	task [dreg:s7], $0x5FFFF  }
0xac: {  	[dreg:$0x1] =	wrdreg $0xFFFFFFFF  }
0xad: {  	[dreg:$0x0] =	wrdreg $0x60  }
0xae: {  	[dreg:$0x2] =	wrdreg s24  }
0xaf: {  	[dreg:$0x3] =	wrdreg s2  }
0xb0: {  	[dreg:$0x4] =	wrdreg $0x9  }
0xb1: {  	_ =	task.clear_ibuf [dreg:s7], $0x5FFFF;
	_ =	strace $0x90000046  }
0xb2: {  	s29 =	simm.s32 $0x9;
	_ =	strace $0x80000048  }
0xb3: {  	_ =	swait.ge [sflag:s29], $0x1  }
0xb4: {  	[sflag:s29] =	ssyncadd.s32 $0xFFFFFFFF  }
0xb5: {  	_ =	strace $0x90000048  }
0xb6: {  	_ =	sfence  }
0xb7: {  	s30 =	sld [smem:$0x0];
	_ =	sdelay $0x2  }
0xb8: {  	s31 =	sshll.u32 s1, $0xD;
	s1 =	sshrl.u32 s1, $0x2  }
0xb9: {  	s3 =	sand.u32 $0x4000, s31;
	s1 =	sadd.s32 s1, s30  }
0xba: {  	s0 =	sor.u32 s3, s0;
	s1 =	sshll.u32 s1, $0x11  }
0xbb: {  	s0 =	sor.u32 s1, s0  }
0xbc: {  	s0 =	sadd.s32 $0x8F2B, s0  }
0xbd: {  	[sflag:s0] =	ssyncadd.remote.s32 $0x1  }
0xbe: {  	_ =	sfence.sel $0xFFFF  }
0xbf: {  	[dreg:$0x0] =	wrdreg $0xFFFFFFFF;
	(pc) =	sbr.abs _section_cstart, $3  }
0xc0: {  	[dreg:$0x1] =	wrdreg $0xFFFFFFFF  }
0xc1: {  	_ =	task.clear_ibuf [dreg:s7], $0x2FFFF;
	_ =	strace $0x9FFFFFFF  }
0xc2: {  	(tm) =	ssettm $0x7FFFFFFF  }
0xc3: {  	_ =	shalt  }
tec
execute0_lowered:
.L_overlay_start_1:
0x0: {  	(tag) =	ssettag $0x1  }
0x1: {  	v0 =	vlaneseq.u32  }
0x2: {  	v11 =	vmul.u32 $0x8, v0  }
0x3: {  	vm0 =	vmmov $0x1;
	v34 =	vimm.s32 $0x0  }
0x4: {  	v32 =	vmul.u32 $0x80, v0;
	v33 =	vand.u32 $0x7, v0;
	v17 =	vor.u32 $0x80, v11  }
0x5: {  	s1 =	srdreg.scid;
	s0 =	stileid.u32;
	v18 =	vor.u32 $0x100, v11;
	v19 =	vor.u32 $0x180, v11;
	v20 =	vor.u32 $0x200, v11  }
0x6: {  	s31 =	rddreg [dreg:$0x0];
	s9 =	simm.s32 $0x8980;
	s10 =	simm.s32 $0x900;
	v21 =	vor.u32 $0x280, v11;
	v22 =	vor.u32 $0x300, v11;
	v23 =	vor.u32 $0x380, v11  }
0x7: {  	s11 =	simm.s32 $0x8900;
	s5 =	sand.u32 $0x1, s1;
	s18 =	sshll.u32 s0, $0x1;
	v24 =	vor.u32 $0x400, v11;
	v25 =	vor.u32 $0x480, v11;
	v26 =	vor.u32 $0x500, v11  }
0x8: {  	s12 =	simm.s32 $0x0;
	s4 =	sor.u32 s5, s18;
	s5 =	ssub.s32 $0x2, s5;
	v27 =	vor.u32 $0x580, v11;
	v28 =	vor.u32 $0x600, v11;
	v29 =	vor.u32 $0x680, v11  }
0x9: {  	s1 =	sshll.u32 s4, $0x8;
	v30 =	vor.u32 $0x700, v11;
	v31 =	vor.u32 $0x780, v11;
	s7 =	sshll.u32 s4, $0x4;
	s8 =	sshrl.u32 s5, $0x1;
	v35 =	vor.u32 $0x800, v32  }
0xa: {  	s4 =	sshll.u32 s4, $0x5;
	v36 =	vor.u32 $0x1000, v32;
	v37 =	vor.u32 $0x1800, v32;
	v38 =	vor.u32 $0x2000, v32;
	s2 =	sor.u32 $0x10, s1;
	s3 =	sor.u32 $0x20, s1  }
0xb: {  	v39 =	vor.u32 $0x2800, v32;
	v40 =	vor.u32 $0x3000, v32;
	v41 =	vor.u32 $0x3800, v32;
	s19 =	sor.u32 $0x30, s1;
	s20 =	sor.u32 $0x40, s1;
	s6 =	sor.u32 $0x50, s1  }
0xc: {  	v42 =	vor.u32 $0x4000, v32;
	v43 =	vor.u32 $0x4800, v32;
	v44 =	vor.u32 $0x5000, v32;
	s21 =	sor.u32 $0x60, s1;
	s22 =	sor.u32 $0x70, s1;
	s23 =	sor.u32 $0x80, s1  }
0xd: {  	v45 =	vor.u32 $0x5800, v32;
	v46 =	vor.u32 $0x6000, v32;
	v1 =	vor.u32 s1, v0;
	s24 =	sor.u32 $0x90, s1;
	s25 =	sor.u32 $0xA0, s1;
	s26 =	sor.u32 $0xB0, s1  }
0xe: {  	v47 =	vor.u32 $0x6800, v32;
	v48 =	vor.u32 $0x7000, v32;
	s28 =	sor.u32 $0xC0, s1;
	s29 =	sor.u32 $0xD0, s1;
	s30 =	sor.u32 $0xE0, s1;
	[tilespmem:$0x1FFB0] =	vst v1;
	v60 =	vor.u32 s2, v0  }
0xf: {  	v49 =	vor.u32 $0x7800, v32;
	s1 =	sor.u32 $0xF0, s1;
	s7 =	sadd.s32 s7, s31;
	v61 =	vor.u32 s3, v0;
	v62 =	vor.u32 s19, v0;
	s2 =	rddreg [dreg:$0x1];
	[tilespmem:$0x1FFC0] =	vst v60  }
0x10: {  	s8 =	ssub.s32 s5, s8;
	s4 =	sadd.s32 s31, s4;
	v63 =	vor.u32 s20, v0;
	v5 =	vor.u32 s6, v0;
	v16 =	vor.u32 s1, v0;
	s1 =	rddreg [dreg:$0x2];
	[tilespmem:$0x1FFD0] =	vst v61  }
0x11: {  	v6 =	vor.u32 s21, v0;
	v7 =	vor.u32 s22, v0;
	v8 =	vor.u32 s23, v0;
	s3 =	simm.s32 $0x0;
	s5 =	sadd.s32 $0x400, s7;
	s6 =	smax.u32 s8, $0x1;
	[tilespmem:$0x1FFE0] =	vst v62  }
0x12: {  	v9 =	vor.u32 s24, v0;
	v10 =	vor.u32 s25, v0;
	v12 =	vor.u32 s26, v0;
	s7 =	simm.s32 $0x2;
	s8 =	simm.s32 $0x100;
	[tilespmem:$0x1FFF0] =	vst v63;
	[smem:$0x7FF] =	sst s3  }
0x13: {  	v13 =	vor.u32 s28, v0;
	v14 =	vor.u32 s29, v0;
	v15 =	vor.u32 s30, v0;
	_ =	strace $0x80000047;
	[dreg:$0x3] =	wrdreg s9;
	s9 =	simm.s32 $0x1  }
.LBB2_1:
0x14: {  	[tilespmem:s3], [sflag:$0x2] =	stream.linear.gather [hbm4b:s4+s3], $0x100, $0x38;
	[tilespmem:$0x8A80] =	vst v63  }
0x15: {  	_ =	swait.ge [sflag:s7], $0x100  }
0x16: {  	[sflag:s7] =	ssyncset.done $0x0  }
0x17: {  	v0 =	vld [tilespmem:$0x1FFB0];
	[sflag:s7] =	ssyncadd.s32 $0xFFFFFF00  }
0x18: {  	v50 =	vld [tilespmem:$0x0];
	_ =	sdelay $0x3  }
0x19: {  	[tilespmem:v11+s8+$0x0] =	vst.idx.msk $0xffff, v0  }
0x1a: {  	v51 =	vld [tilespmem:$0x10];
	v0 =	vand.u32 $0xFFFFFF80, v50  }
0x1b: {  	[tilespmem:$0x8980] =	vst v0;
	v0 =	vld [tilespmem:$0x1FFC0];
	_ =	sdelay $0x4  }
0x1c: {  	[tilespmem:v17+s8+$0x0] =	vst.idx.msk $0xffff, v0;
	v0 =	vand.u32 $0xFFFFFF80, v51  }
0x1d: {  	[tilespmem:$0x8990] =	vst v0;
	v0 =	vld [tilespmem:$0x1FFD0]  }
0x1e: {  	v53 =	vld [tilespmem:$0x20];
	_ =	sdelay $0x3  }
0x1f: {  	[tilespmem:v18+s8+$0x0] =	vst.idx.msk $0xffff, v0  }
0x20: {  	v0 =	vand.u32 $0xFFFFFF80, v53;
	v52 =	vld [tilespmem:$0x30]  }
0x21: {  	[tilespmem:$0x89A0] =	vst v0;
	v0 =	vld [tilespmem:$0x1FFE0];
	_ =	sdelay $0x4  }
0x22: {  	[tilespmem:v19+s8+$0x0] =	vst.idx.msk $0xffff, v0;
	v0 =	vand.u32 $0xFFFFFF80, v52  }
0x23: {  	[tilespmem:$0x89B0] =	vst v0;
	v0 =	vld [tilespmem:$0x1FFF0];
	_ =	sdelay $0x3  }
0x24: {  	v60 =	vld [tilespmem:$0x40]  }
0x25: {  	[tilespmem:v20+s8+$0x0] =	vst.idx.msk $0xffff, v0  }
0x26: {  	v54 =	vld [tilespmem:$0x50];
	_ =	sdelay $0x2  }
0x27: {  	v0 =	vand.u32 $0xFFFFFF80, v60  }
0x28: {  	[tilespmem:$0x89C0] =	vst v0  }
0x29: {  	[tilespmem:v21+s8+$0x0] =	vst.idx.msk $0xffff, v5;
	v0 =	vand.u32 $0xFFFFFF80, v54  }
0x2a: {  	v61 =	vld [tilespmem:$0x60];
	[tilespmem:$0x89D0] =	vst v0  }
0x2b: {  	[tilespmem:v22+s8+$0x0] =	vst.idx.msk $0xffff, v6  }
0x2c: {  	v55 =	vld [tilespmem:$0x70];
	_ =	sdelay $0x2  }
0x2d: {  	v0 =	vand.u32 $0xFFFFFF80, v61  }
0x2e: {  	[tilespmem:$0x89E0] =	vst v0  }
0x2f: {  	[tilespmem:v23+s8+$0x0] =	vst.idx.msk $0xffff, v7;
	v0 =	vand.u32 $0xFFFFFF80, v55  }
0x30: {  	v62 =	vld [tilespmem:$0x80];
	[tilespmem:$0x89F0] =	vst v0  }
0x31: {  	[tilespmem:v24+s8+$0x0] =	vst.idx.msk $0xffff, v8  }
0x32: {  	v56 =	vld [tilespmem:$0x90];
	_ =	sdelay $0x2  }
0x33: {  	v0 =	vand.u32 $0xFFFFFF80, v62  }
0x34: {  	[tilespmem:$0x8A00] =	vst v0  }
0x35: {  	[tilespmem:v25+s8+$0x0] =	vst.idx.msk $0xffff, v9;
	v0 =	vand.u32 $0xFFFFFF80, v56  }
0x36: {  	v63 =	vld [tilespmem:$0xA0];
	[tilespmem:$0x8A10] =	vst v0  }
0x37: {  	[tilespmem:v26+s8+$0x0] =	vst.idx.msk $0xffff, v10  }
0x38: {  	v57 =	vld [tilespmem:$0xB0];
	_ =	sdelay $0x2  }
0x39: {  	v0 =	vand.u32 $0xFFFFFF80, v63  }
0x3a: {  	[tilespmem:$0x8A20] =	vst v0  }
0x3b: {  	[tilespmem:v27+s8+$0x0] =	vst.idx.msk $0xffff, v12;
	v0 =	vand.u32 $0xFFFFFF80, v57  }
0x3c: {  	[tilespmem:$0x8A30] =	vst v0;
	v0 =	vld [tilespmem:$0xC0]  }
0x3d: {  	[tilespmem:v28+s8+$0x0] =	vst.idx.msk $0xffff, v13  }
0x3e: {  	v58 =	vld [tilespmem:$0xD0];
	_ =	sdelay $0x2  }
0x3f: {  	v1 =	vand.u32 $0xFFFFFF80, v0  }
0x40: {  	[tilespmem:$0x8A40] =	vst v1  }
0x41: {  	[tilespmem:v29+s8+$0x0] =	vst.idx.msk $0xffff, v14;
	v1 =	vand.u32 $0xFFFFFF80, v58  }
0x42: {  	[tilespmem:$0x8A50] =	vst v1;
	v1 =	vld [tilespmem:$0xE0]  }
0x43: {  	[tilespmem:v30+s8+$0x0] =	vst.idx.msk $0xffff, v15  }
0x44: {  	v59 =	vld [tilespmem:$0xF0];
	_ =	sdelay $0x2  }
0x45: {  	v2 =	vand.u32 $0xFFFFFF80, v1  }
0x46: {  	[tilespmem:$0x8A60] =	vst v2  }
0x47: {  	[tilespmem:v31+s8+$0x0] =	vst.idx.msk $0xffff, v16;
	v2 =	vand.u32 $0xFFFFFF80, v59  }
0x48: {  	s13 =	simm.s32 $0x120;
	s14 =	simm.s32 $0x0;
	s15 =	simm.s32 $0x0;
	[tilespmem:$0x8A70] =	vst v2  }
.LBB2_2:
0x49: {  	v2 =	vor.u32 s14, v33;
	_ =	sdelay $0x3  }
0x4a: {  	s16 =	rddreg [dreg:$0x3]  }
0x4b: {  	v2 =	vld.idx.msk [tilespmem:v2+s16+$0x0], $0xffff;
	_ =	sdelay $0x4  }
0x4c: {  	(v2sf) =	vpush v2, $0x0;
	_ =	sdelay $0x2  }
0x4d: {  	v3 =	vld.msk [tilespmem:s13+$0xFFFFFFE0], $0x1;
	_ =	sdelay $0x4  }
0x4e: {  	v4 =	vshll.u32 v3, $0x6  }
0x4f: {  	v3 =	vand.u32 $0x7, v3;
	v4 =	vand.u32 $0xFFFFFE00, v4  }
0x50: {  	v3 =	vor.u32 v3, v4  }
0x51: {  	v3 =	vperm.xlane v3, v34;
	_ =	sdelay $0x1  }
0x52: {  	v3 =	vadd.s32 v11, v3;
	_ =	sdelay $0x1  }
0x53: {  	s17 =	spop (v2sf)  }
0x54: {  	s16 =	sshra.s32 s15, $0x2;
	(v2sf) =	vpush v2, $0x1;
	s17 =	sand.u32 $0xFFFFF80, s17  }
0x55: {  	s18 =	sadd.s32 $0x900, s16;
	s17 =	sadd.s32 s2, s17  }
0x56: {  	[tilespmem:s18], [sflag:$0x1] =	stream.indirect_vreg.gather [hbm4b:s17+s3], $0x80, v3, vm0, $0xb8;
	[tilespmem:$0x8A80] =	vst v63  }
0x57: {  	v3 =	vld.msk [tilespmem:s13+$0xFFFFFFE8], $0x1;
	_ =	sdelay $0x4  }
0x58: {  	v4 =	vshll.u32 v3, $0x6  }
0x59: {  	v3 =	vand.u32 $0x7, v3;
	v4 =	vand.u32 $0xFFFFFE00, v4  }
0x5a: {  	v3 =	vor.u32 v3, v4  }
0x5b: {  	v3 =	vperm.xlane v3, v34;
	_ =	sdelay $0x1  }
0x5c: {  	v3 =	vadd.s32 v11, v3;
	_ =	sdelay $0x1  }
0x5d: {  	s18 =	spop (v2sf)  }
0x5e: {  	(v2sf) =	vpush v2, $0x2;
	s17 =	sand.u32 $0xFFFFF80, s18  }
0x5f: {  	s19 =	sadd.s32 $0x980, s16;
	s17 =	sadd.s32 s2, s17  }
0x60: {  	[tilespmem:s19], [sflag:$0x1] =	stream.indirect_vreg.gather [hbm4b:s17+s3], $0x80, v3, vm0, $0xb8;
	[tilespmem:$0x8A80] =	vst v63  }
0x61: {  	v3 =	vld.msk [tilespmem:s13+$0xFFFFFFF0], $0x1;
	_ =	sdelay $0x4  }
0x62: {  	v4 =	vshll.u32 v3, $0x6  }
0x63: {  	v3 =	vand.u32 $0x7, v3;
	v4 =	vand.u32 $0xFFFFFE00, v4  }
0x64: {  	v3 =	vor.u32 v3, v4  }
0x65: {  	v3 =	vperm.xlane v3, v34;
	_ =	sdelay $0x1  }
0x66: {  	v3 =	vadd.s32 v11, v3;
	_ =	sdelay $0x1  }
0x67: {  	s20 =	spop (v2sf)  }
0x68: {  	(v2sf) =	vpush v2, $0x3;
	s17 =	sand.u32 $0xFFFFF80, s20  }
0x69: {  	s21 =	sadd.s32 $0xA00, s16;
	s17 =	sadd.s32 s2, s17  }
0x6a: {  	[tilespmem:s21], [sflag:$0x1] =	stream.indirect_vreg.gather [hbm4b:s17+s3], $0x80, v3, vm0, $0xb8;
	[tilespmem:$0x8A80] =	vst v63  }
0x6b: {  	v3 =	vld.msk [tilespmem:s13+$0xFFFFFFF8], $0x1;
	_ =	sdelay $0x4  }
0x6c: {  	v4 =	vshll.u32 v3, $0x6  }
0x6d: {  	v3 =	vand.u32 $0x7, v3;
	v4 =	vand.u32 $0xFFFFFE00, v4  }
0x6e: {  	v3 =	vor.u32 v3, v4  }
0x6f: {  	v3 =	vperm.xlane v3, v34;
	_ =	sdelay $0x1  }
0x70: {  	v3 =	vadd.s32 v11, v3;
	_ =	sdelay $0x1  }
0x71: {  	s22 =	spop (v2sf)  }
0x72: {  	(v2sf) =	vpush v2, $0x4;
	s17 =	sand.u32 $0xFFFFF80, s22  }
0x73: {  	s23 =	sadd.s32 $0xA80, s16;
	s17 =	sadd.s32 s2, s17  }
0x74: {  	[tilespmem:s23], [sflag:$0x1] =	stream.indirect_vreg.gather [hbm4b:s17+s3], $0x80, v3, vm0, $0xb8;
	[tilespmem:$0x8A80] =	vst v63  }
0x75: {  	v3 =	vld.msk [tilespmem:s13+$0x0], $0x1;
	_ =	sdelay $0x4  }
0x76: {  	v4 =	vshll.u32 v3, $0x6  }
0x77: {  	v3 =	vand.u32 $0x7, v3;
	v4 =	vand.u32 $0xFFFFFE00, v4  }
0x78: {  	v3 =	vor.u32 v3, v4  }
0x79: {  	v3 =	vperm.xlane v3, v34;
	_ =	sdelay $0x1  }
0x7a: {  	v3 =	vadd.s32 v11, v3;
	_ =	sdelay $0x1  }
0x7b: {  	s24 =	spop (v2sf)  }
0x7c: {  	(v2sf) =	vpush v2, $0x5;
	s17 =	sand.u32 $0xFFFFF80, s24  }
0x7d: {  	s25 =	sadd.s32 $0xB00, s16;
	s17 =	sadd.s32 s2, s17  }
0x7e: {  	[tilespmem:s25], [sflag:$0x1] =	stream.indirect_vreg.gather [hbm4b:s17+s3], $0x80, v3, vm0, $0xb8;
	[tilespmem:$0x8A80] =	vst v63  }
0x7f: {  	v3 =	vld.msk [tilespmem:s13+$0x8], $0x1;
	_ =	sdelay $0x4  }
0x80: {  	v4 =	vshll.u32 v3, $0x6  }
0x81: {  	v3 =	vand.u32 $0x7, v3;
	v4 =	vand.u32 $0xFFFFFE00, v4  }
0x82: {  	v3 =	vor.u32 v3, v4  }
0x83: {  	v3 =	vperm.xlane v3, v34;
	_ =	sdelay $0x1  }
0x84: {  	v3 =	vadd.s32 v11, v3;
	_ =	sdelay $0x1  }
0x85: {  	s26 =	spop (v2sf)  }
0x86: {  	(v2sf) =	vpush v2, $0x6;
	s17 =	sand.u32 $0xFFFFF80, s26  }
0x87: {  	s28 =	sadd.s32 $0xB80, s16;
	s17 =	sadd.s32 s2, s17  }
0x88: {  	[tilespmem:s28], [sflag:$0x1] =	stream.indirect_vreg.gather [hbm4b:s17+s3], $0x80, v3, vm0, $0xb8;
	[tilespmem:$0x8A80] =	vst v63  }
0x89: {  	v3 =	vld.msk [tilespmem:s13+$0x10], $0x1;
	_ =	sdelay $0x4  }
0x8a: {  	v4 =	vshll.u32 v3, $0x6  }
0x8b: {  	v3 =	vand.u32 $0x7, v3;
	v4 =	vand.u32 $0xFFFFFE00, v4  }
0x8c: {  	v3 =	vor.u32 v3, v4  }
0x8d: {  	v3 =	vperm.xlane v3, v34;
	_ =	sdelay $0x1  }
0x8e: {  	v3 =	vadd.s32 v11, v3;
	_ =	sdelay $0x1  }
0x8f: {  	s29 =	spop (v2sf)  }
0x90: {  	(v2sf) =	vpush v2, $0x7;
	s17 =	sand.u32 $0xFFFFF80, s29  }
0x91: {  	s30 =	sadd.s32 $0xC00, s16;
	s17 =	sadd.s32 s2, s17  }
0x92: {  	[tilespmem:s30], [sflag:$0x1] =	stream.indirect_vreg.gather [hbm4b:s17+s3], $0x80, v3, vm0, $0xb8;
	[tilespmem:$0x8A80] =	vst v63  }
0x93: {  	v2 =	vld.msk [tilespmem:s13+$0x18], $0x1;
	_ =	sdelay $0x4  }
0x94: {  	v3 =	vshll.u32 v2, $0x6  }
0x95: {  	v2 =	vand.u32 $0x7, v2;
	v3 =	vand.u32 $0xFFFFFE00, v3  }
0x96: {  	v2 =	vor.u32 v2, v3  }
0x97: {  	v2 =	vperm.xlane v2, v34;
	_ =	sdelay $0x1  }
0x98: {  	p0 =	sne.s32 s15, $0x1F000;
	v2 =	vadd.s32 v11, v2  }
.Ltmp0:
0x99: {  	_ = 	snop;
	(pc) =	sbr.rel @p0 .LBB2_2-.Ltmp0, $4  }
0x9a: {  	s31 =	spop (v2sf)  }
0x9b: {  	s14 =	sadd.s32 $0x8, s14;
	s15 =	sadd.s32 $0x1000, s15;
	s17 =	sand.u32 $0xFFFFF80, s31  }
0x9c: {  	s16 =	sadd.s32 $0xC80, s16;
	s13 =	sadd.s32 $0x40, s13;
	s17 =	sadd.s32 s2, s17  }
0x9d: {  	[tilespmem:s16], [sflag:$0x1] =	stream.indirect_vreg.gather [hbm4b:s17+s3], $0x80, v2, vm0, $0xb8;
	[tilespmem:$0x8A80] =	vst v63  }
0x9e: {  	v2 =	vand.u32 $0x7F, v50  }
0x9f: {  	v2 =	vor.u32 v32, v2  }
0xa0: {  	v3 =	vand.u32 $0x7F, v51  }
0xa1: {  	_ =	swait.ge [sflag:s9], $0x8000;
	v3 =	vor.u32 v35, v3  }
0xa2: {  	v4 =	vand.u32 $0x7F, v53;
	[sflag:s9] =	ssyncset.done $0x0  }
0xa3: {  	v4 =	vor.u32 v36, v4;
	[sflag:s9] =	ssyncadd.s32 $0xFFFF8000  }
0xa4: {  	v53 =	vand.u32 $0x7F, v52;
	v2 =	vld.idx.msk [tilespmem:v2+s10+$0x0], $0xffff  }
0xa5: {  	v50 =	vor.u32 v37, v53  }
0xa6: {  	v60 =	vand.u32 $0x7F, v60;
	v3 =	vld.idx.msk [tilespmem:v3+s10+$0x0], $0xffff  }
0xa7: {  	v51 =	vor.u32 v38, v60  }
0xa8: {  	v60 =	vand.u32 $0x7F, v54;
	v4 =	vld.idx.msk [tilespmem:v4+s10+$0x0], $0xffff  }
0xa9: {  	v52 =	vor.u32 v39, v60;
	v2 =	vsub.f32 $0.0e+00, v2  }
0xaa: {  	v60 =	vand.u32 $0x7F, v61;
	v50 =	vld.idx.msk [tilespmem:v50+s10+$0x0], $0xffff  }
0xab: {  	v2 =	vsub.f32 v2, v3;
	v3 =	vor.u32 v40, v60  }
0xac: {  	v61 =	vand.u32 $0x7F, v55;
	v51 =	vld.idx.msk [tilespmem:v51+s10+$0x0], $0xffff  }
0xad: {  	v2 =	vsub.f32 v2, v4;
	v4 =	vor.u32 v41, v61  }
0xae: {  	v62 =	vand.u32 $0x7F, v62;
	v52 =	vld.idx.msk [tilespmem:v52+s10+$0x0], $0xffff  }
0xaf: {  	v60 =	vor.u32 v42, v62;
	v2 =	vsub.f32 v2, v50  }
0xb0: {  	v61 =	vand.u32 $0x7F, v56;
	v3 =	vld.idx.msk [tilespmem:v3+s10+$0x0], $0xffff  }
0xb1: {  	v62 =	vor.u32 v43, v61;
	v2 =	vsub.f32 v2, v51  }
0xb2: {  	v63 =	vand.u32 $0x7F, v63;
	v4 =	vld.idx.msk [tilespmem:v4+s10+$0x0], $0xffff  }
0xb3: {  	v56 =	vor.u32 v44, v63;
	v2 =	vsub.f32 v2, v52  }
0xb4: {  	v57 =	vand.u32 $0x7F, v57;
	v50 =	vld.idx.msk [tilespmem:v60+s10+$0x0], $0xffff  }
0xb5: {  	v2 =	vsub.f32 v2, v3;
	v3 =	vor.u32 v45, v57  }
0xb6: {  	v0 =	vand.u32 $0x7F, v0;
	v51 =	vld.idx.msk [tilespmem:v62+s10+$0x0], $0xffff  }
0xb7: {  	v0 =	vor.u32 v46, v0;
	v2 =	vsub.f32 v2, v4  }
0xb8: {  	v60 =	vand.u32 $0x7F, v58;
	v4 =	vld.idx.msk [tilespmem:v56+s10+$0x0], $0xffff  }
0xb9: {  	v61 =	vor.u32 v47, v60;
	v2 =	vsub.f32 v2, v50  }
0xba: {  	v1 =	vand.u32 $0x7F, v1;
	v3 =	vld.idx.msk [tilespmem:v3+s10+$0x0], $0xffff  }
0xbb: {  	v1 =	vor.u32 v48, v1;
	v2 =	vsub.f32 v2, v51  }
0xbc: {  	v0 =	vld.idx.msk [tilespmem:v0+s10+$0x0], $0xffff;
	v62 =	vand.u32 $0x7F, v59  }
0xbd: {  	v2 =	vsub.f32 v2, v4;
	v4 =	vor.u32 v49, v62  }
0xbe: {  	v50 =	vld.idx.msk [tilespmem:v61+s10+$0x0], $0xffff  }
0xbf: {  	v2 =	vsub.f32 v2, v3  }
0xc0: {  	v1 =	vld.idx.msk [tilespmem:v1+s10+$0x0], $0xffff  }
0xc1: {  	v0 =	vsub.f32 v2, v0  }
0xc2: {  	v63 =	vld.idx.msk [tilespmem:v4+s10+$0x0], $0xffff  }
0xc3: {  	v0 =	vsub.f32 v0, v50;
	_ =	sdelay $0x1  }
0xc4: {  	v0 =	vsub.f32 v0, v1;
	_ =	sdelay $0x1  }
0xc5: {  	s12 =	sadd.s32 $0x1, s12;
	v0 =	vsub.f32 v0, v63  }
0xc6: {  	p0 =	sne.s32 s12, s6  }
.Ltmp1:
0xc7: {  	[tilespmem:$0x8900] =	vst v0;
	(pc) =	sbr.rel @p0 .LBB2_1-.Ltmp1, $4  }
0xc8: {  	[hbm4b:s5+s3] =	stream.linear.scatter [tilespmem:s11], [sflag:$0x2], $0x80, $0x38;
	[tilespmem:$0x8A80] =	vst v63  }
0xc9: {  	_ =	swait.ge [sflag:s7], $0x80  }
0xca: {  	[sflag:s7] =	ssyncset.done $0x0  }
0xcb: {  	[sflag:s7] =	ssyncadd.s32 $0xFFFFFF80  }
0xcc: {  	_ =	sfence.sel $0x180000  }
0xcd: {  	[bflag:$0x0] =	sbarrier.arrive $0xFFFF  }
0xce: {  	p0 =	sne.s32 s0, $0x0;
	_ =	strace $0x90000047  }
0xcf: {  	s0 =	sadd.s32 @!p0 $0x100000, s1;
	[bflag:$0x2] =	sbarrier.arrive $0xFFFF  }
0xd0: {  	[sflag:s0] =	ssyncadd.tile.s32 @!p0 $0x1;
	_ =	shalt  }
.Lfunc_end2:
_tile_overlayer_lowered:
.L_overlay_start_2:
0xd1: {  	(tag) =	ssettag $0x2  }
0xd2: {  	s0 =	rddreg [dreg:$0x0];
	s2 =	stileid.u32  }
0xd3: {  	s1 =	rddreg [dreg:$0x1];
	p0 =	sne.s32 s2, $0x0  }
0xd4: {  	s3 =	rddreg [dreg:$0x2];
	[bflag:$0x3] =	sbarrier.arrive $0xFFFF;
	s2 =	simm.s32 @!p0 $0x1C02  }
0xd5: {  	[timem:s3], [sflag:s2] =	dma.local @!p0 [hbm:s0], s1  }
0xd6: {  	s0 =	simm.s32 @!p0 $0x2  }
0xd7: {  	_ =	swait.ge @!p0 [sflag:s0], s1  }
0xd8: {  	s1 =	ssub.s32 @!p0 $0x0, s1;
	[sflag:s0] =	ssyncset.done @!p0 $0x0  }
0xd9: {  	[sflag:s0] =	ssyncadd.s32 @!p0 s1  }
0xda: {  	[bflag:$0x3] =	sbarrier.arrive $0xFFFF  }
0xdb: {  	_ =	shalt  }

</sc_bundles>
